<compile_context>
chip_gen: v7x
topology: tpu7x:2x2x1
jax: 0.10.2.dev20260603
libtpu: 0.0.44.dev20260713+nightly
codegen_flags: <defaults>
</compile_context>

<pallas_src>
import numpy as np
import jax
import jax.numpy as jnp
from jax.experimental import pallas as pl
from jax.experimental.pallas import tpu as pltpu

_NUM_CLASSES = 80
_NUM_ANCHORS = 9
_STRIDE = 8
_PRE_NMS = 1000
_MAX_OUT = 100
_IOU_TH = 0.5
_PAD = 1024


def _make_anchor_table(h, w, stride):
    base = stride * 4.0
    scales = np.array([2.0 ** 0, 2.0 ** (1.0 / 3.0), 2.0 ** (2.0 / 3.0)])
    ratios = np.array([0.5, 1.0, 2.0])
    ws, hs = [], []
    for r in ratios:
        for s in scales:
            ws.append(base * s / np.sqrt(r))
            hs.append(base * s * np.sqrt(r))
    ws = np.array(ws)
    hs = np.array(hs)
    sx = (np.arange(w) + 0.5) * stride
    sy = (np.arange(h) + 0.5) * stride
    cx, cy = np.meshgrid(sx, sy)
    cx = cx.reshape(-1, 1)
    cy = cy.reshape(-1, 1)
    a = np.stack([cx - ws / 2.0, cy - hs / 2.0, cx + ws / 2.0, cy + hs / 2.0],
                 axis=-1)
    return jnp.asarray(a.reshape(-1, 4), jnp.float32)


def _nms_kernel(boxes_ref, boxest_ref, clsc_ref, scr_ref, out_ref, smat_ref):
    n = _PAD
    nblk = n // 128

    b = boxes_ref[0]
    clsc = clsc_ref[0]
    bt = boxest_ref[0]
    s_row = scr_ref[0]

    ob = b + clsc * 1e4
    x1 = ob[:, 0:1]
    y1 = ob[:, 1:2]
    x2 = ob[:, 2:3]
    y2 = ob[:, 3:4]
    area = jnp.maximum(x2 - x1, 0.0) * jnp.maximum(y2 - y1, 0.0)

    clsr = bt[4:5, :]
    x1r = bt[0:1, :] + clsr * 1e4
    y1r = bt[1:2, :] + clsr * 1e4
    x2r = bt[2:3, :] + clsr * 1e4
    y2r = bt[3:4, :] + clsr * 1e4
    arear = jnp.maximum(x2r - x1r, 0.0) * jnp.maximum(y2r - y1r, 0.0)

    jlane = jax.lax.broadcasted_iota(jnp.int32, (128, n), 1)
    for rb in range(nblk):
        sl = slice(rb * 128, rb * 128 + 128)
        xx1 = jnp.maximum(x1[sl, :], x1r)
        yy1 = jnp.maximum(y1[sl, :], y1r)
        xx2 = jnp.minimum(x2[sl, :], x2r)
        yy2 = jnp.minimum(y2[sl, :], y2r)
        inter = jnp.maximum(xx2 - xx1, 0.0) * jnp.maximum(yy2 - yy1, 0.0)
        iou = inter / (area[sl, :] + arear - inter + 1e-9)
        irow = jax.lax.broadcasted_iota(jnp.int32, (128, n), 0) + rb * 128
        mask = jnp.logical_and(iou > _IOU_TH, jlane > irow)
        smat_ref[pl.ds(rb * 128, 128), :] = mask.astype(jnp.float32)

    lane = jax.lax.broadcasted_iota(jnp.int32, (1, n), 1)

    def greedy(i, valid):
        row = smat_ref[pl.ds(i, 1), :]
        vi = jnp.sum(jnp.where(lane == i, valid, 0.0), axis=1, keepdims=True)
        return valid * (1.0 - row * vi)

    valid = jax.lax.fori_loop(0, n, greedy, jnp.ones((1, n), jnp.float32))

    s_cur = jnp.where(valid > 0.5, s_row, -1e9)
    riota = jax.lax.broadcasted_iota(jnp.int32, (128, 1), 0)
    zero_col = jnp.zeros((128, 1), jnp.float32)

    def pick(k, carry):
        s_c, ox1, oy1, ox2, oy2, osc, ocl = carry
        m = jnp.max(s_c, axis=1, keepdims=True)
        sel = s_c == m
        idx = jnp.min(jnp.where(sel, lane, n), axis=1, keepdims=True)
        oneh = (lane == idx).astype(jnp.float32)
        kcol = (riota == k).astype(jnp.float32)

        def take(rowvec):
            return jnp.sum(oneh * rowvec, axis=1, keepdims=True)

        ox1 = ox1 + kcol * take(bt[0:1, :])
        oy1 = oy1 + kcol * take(bt[1:2, :])
        ox2 = ox2 + kcol * take(bt[2:3, :])
        oy2 = oy2 + kcol * take(bt[3:4, :])
        osc = osc + kcol * m
        ocl = ocl + kcol * take(clsr)
        s_c = jnp.where(lane == idx, -3e38, s_c)
        return s_c, ox1, oy1, ox2, oy2, osc, ocl

    init = (s_cur, zero_col, zero_col, zero_col, zero_col, zero_col, zero_col)
    _, ox1, oy1, ox2, oy2, osc, ocl = jax.lax.fori_loop(0, _MAX_OUT, pick, init)

    out_ref[0] = jnp.concatenate(
        [ox1, oy1, ox2, oy2, osc, ocl, zero_col, zero_col], axis=1)


def kernel(cls_pred, loc_pred):
    B, _, H, W = cls_pred.shape
    K = H * W * _NUM_ANCHORS

    cls = jnp.transpose(cls_pred, (0, 2, 3, 1)).reshape(B, K, _NUM_CLASSES)
    loc = jnp.transpose(loc_pred, (0, 2, 3, 1)).reshape(B, K, 4)
    cls = jax.nn.sigmoid(cls)
    anchors = _make_anchor_table(H, W, _STRIDE)

    flat = cls.reshape(B, K * _NUM_CLASSES)
    top_s, top_i = jax.lax.top_k(flat, _PRE_NMS)
    anchor_idx = top_i // _NUM_CLASSES
    cls_idx = top_i % _NUM_CLASSES

    pw = anchors[:, 2] - anchors[:, 0]
    ph = anchors[:, 3] - anchors[:, 1]
    pcx = anchors[:, 0] + 0.5 * pw
    pcy = anchors[:, 1] + 0.5 * ph
    dx = loc[..., 0]
    dy = loc[..., 1]
    dw = jnp.clip(loc[..., 2], -4.135, 4.135)
    dh = jnp.clip(loc[..., 3], -4.135, 4.135)
    cx = dx * pw + pcx
    cy = dy * ph + pcy
    w = jnp.exp(dw) * pw
    h = jnp.exp(dh) * ph
    boxes_all = jnp.stack(
        [cx - 0.5 * w, cy - 0.5 * h, cx + 0.5 * w, cy + 0.5 * h], axis=-1)
    cand = jnp.take_along_axis(boxes_all, anchor_idx[..., None], axis=1)

    pad = _PAD - _PRE_NMS
    boxes_p = jnp.pad(cand, ((0, 0), (0, pad), (0, 0)))
    clsf = jnp.pad(cls_idx.astype(jnp.float32), ((0, 0), (0, pad)))
    scr = jnp.pad(top_s, ((0, 0), (0, pad)), constant_values=-1e9)

    boxest = jnp.concatenate(
        [jnp.transpose(boxes_p, (0, 2, 1)), clsf[:, None, :]], axis=1)

    out = pl.pallas_call(
        _nms_kernel,
        grid=(B,),
        in_specs=[
            pl.BlockSpec((1, _PAD, 4), lambda b: (b, 0, 0)),
            pl.BlockSpec((1, 5, _PAD), lambda b: (b, 0, 0)),
            pl.BlockSpec((1, _PAD, 1), lambda b: (b, 0, 0)),
            pl.BlockSpec((1, 1, _PAD), lambda b: (b, 0, 0)),
        ],
        out_specs=pl.BlockSpec((1, 128, 8), lambda b: (b, 0, 0)),
        out_shape=jax.ShapeDtypeStruct((B, 128, 8), jnp.float32),
        scratch_shapes=[pltpu.VMEM((_PAD, _PAD), jnp.float32)],
    )(boxes_p, boxest, clsf[..., None], scr[:, None, :])

    return out[:, :_MAX_OUT, :6]

# --- scband reference (transcript-rebuilt; emitter-appended) ---
"""Pipeline reference for scband-base-post-process-44341242364825 (READ-ONLY COPY).

The authoritative reference and input builder live on the scoring server;
editing this copy changes nothing except your own understanding.
"""

import jax, jax.numpy as jnp
import numpy as np

NUM_CLASSES = 80
NUM_ANCHORS = 9
STRIDE = 8
PRE_NMS = 1000
MAX_OUT = 100
IOU_TH = 0.5


def make_anchors(h, w, stride):
    base = stride * 4.0
    scales = np.array([2.0 ** 0, 2.0 ** (1.0 / 3.0), 2.0 ** (2.0 / 3.0)])
    ratios = np.array([0.5, 1.0, 2.0])
    ws, hs = [], []
    for r in ratios:
        for s in scales:
            ws.append(base * s / np.sqrt(r))
            hs.append(base * s * np.sqrt(r))
    ws = np.array(ws)
    hs = np.array(hs)
    sx = (np.arange(w) + 0.5) * stride
    sy = (np.arange(h) + 0.5) * stride
    cx, cy = np.meshgrid(sx, sy)
    cx = cx.reshape(-1, 1)
    cy = cy.reshape(-1, 1)
    a = np.stack([cx - ws / 2.0, cy - hs / 2.0, cx + ws / 2.0, cy + hs / 2.0], axis=-1)
    return jnp.asarray(a.reshape(-1, 4), jnp.float32)


def offset2bbox(anchors, deltas):
    pw = anchors[:, 2] - anchors[:, 0]
    ph = anchors[:, 3] - anchors[:, 1]
    pcx = anchors[:, 0] + 0.5 * pw
    pcy = anchors[:, 1] + 0.5 * ph
    dx, dy = deltas[:, 0], deltas[:, 1]
    dw = jnp.clip(deltas[:, 2], -4.135, 4.135)
    dh = jnp.clip(deltas[:, 3], -4.135, 4.135)
    cx = dx * pw + pcx
    cy = dy * ph + pcy
    w = jnp.exp(dw) * pw
    h = jnp.exp(dh) * ph
    return jnp.stack([cx - 0.5 * w, cy - 0.5 * h, cx + 0.5 * w, cy + 0.5 * h], axis=-1)


def nms_keep(boxes_sorted, n):
    b = jax.lax.stop_gradient(boxes_sorted)
    area = jnp.maximum(b[:, 2] - b[:, 0], 0.0) * jnp.maximum(b[:, 3] - b[:, 1], 0.0)
    idx = jnp.arange(n)

    def body(i, valid):
        xx1 = jnp.maximum(b[i, 0], b[:, 0])
        yy1 = jnp.maximum(b[i, 1], b[:, 1])
        xx2 = jnp.minimum(b[i, 2], b[:, 2])
        yy2 = jnp.minimum(b[i, 3], b[:, 3])
        inter = jnp.maximum(xx2 - xx1, 0.0) * jnp.maximum(yy2 - yy1, 0.0)
        iou = inter / (area[i] + area - inter + 1e-9)
        suppress = (iou > IOU_TH) & (idx > i) & valid[i]
        return valid & (~suppress)

    return jax.lax.fori_loop(0, n, body, jnp.ones((n,), jnp.bool_))


def predict_single(cls_i, boxes_i):
    # cls_i: [K, C] activated scores, boxes_i: [K, 4] decoded boxes
    flat = cls_i.reshape(-1)
    top_s, top_i = jax.lax.top_k(flat, PRE_NMS)
    anchor_idx = top_i // NUM_CLASSES
    cls_idx = top_i % NUM_CLASSES
    cand = boxes_i[anchor_idx]
    # class-aware NMS via per-class coordinate offset
    off = cls_idx.astype(jnp.float32)[:, None] * 1e4
    order = jnp.argsort(-top_s)
    b_sorted = (cand + off)[order]
    s_sorted = top_s[order]
    real_sorted = cand[order]
    cls_sorted = cls_idx[order]
    valid = nms_keep(b_sorted, PRE_NMS)
    s_masked = jnp.where(valid, s_sorted, -1e9)
    det_s, keep = jax.lax.top_k(s_masked, MAX_OUT)
    det_b = real_sorted[keep]
    det_c = cls_sorted[keep].astype(jnp.float32)
    return jnp.concatenate([det_b, det_s[:, None], det_c[:, None]], axis=-1)


def setup_inputs(seed: int = 0) -> dict:
    key = jax.random.key(seed)
    k1, k2 = jax.random.split(key)
    cls_pred = jax.random.normal(k1, (2, NUM_ANCHORS * NUM_CLASSES, 100, 100), jnp.float32)
    loc_pred = jax.random.normal(k2, (2, NUM_ANCHORS * 4, 100, 100), jnp.float32) * 0.5
    return {"cls_pred": cls_pred, "loc_pred": loc_pred}


def reference(cls_pred, loc_pred):
    B, _, H, W = cls_pred.shape
    K = H * W * NUM_ANCHORS
    # permute_preds: [B, A*C, H, W] -> [B, H*W*A, C]
    cls = jnp.transpose(cls_pred, (0, 2, 3, 1)).reshape(B, K, NUM_CLASSES)
    loc = jnp.transpose(loc_pred, (0, 2, 3, 1)).reshape(B, K, 4)
    # apply_activation (sigmoid class activation, no background channel)
    cls = jax.nn.sigmoid(cls)
    anchors = make_anchors(H, W, STRIDE)

    def per_image(c, l):
        boxes = offset2bbox(anchors, l)
        return predict_single(c, boxes)

    # [B, MAX_OUT, 6] = (x1, y1, x2, y2, score, class)
    return jax.vmap(per_image)(cls, loc)

if __name__ == "__main__":
    import jax
    _d = setup_inputs()
    print(jax.jit(kernel)(*tuple(_d.values())))

</pallas_src>

<mosaic_0001>
module attributes {stable_mosaic.version = 14 : i64} {
  func.func @_nms_kernel(%arg0: i32, %arg1: memref<1x1024x4xf32, #tpu.memory_space<vmem>>, %arg2: memref<1x5x1024xf32, #tpu.memory_space<vmem>>, %arg3: memref<1x1024x1xf32, #tpu.memory_space<vmem>>, %arg4: memref<1x1x1024xf32, #tpu.memory_space<vmem>>, %arg5: memref<1x128x8xf32, #tpu.memory_space<vmem>>, %arg6: memref<1024x1024xf32, #tpu.memory_space<vmem>>) attributes {dimension_semantics = [#tpu.dimension_semantics<arbitrary>], iteration_bounds = array<i64: 2>, scalar_prefetch = 0 : i64, scratch_operands = 1 : i64, tpu.core_type = #tpu.core_type<tc>, window_params = [{transform_indices = @transform_0, window_bounds = array<i64: 1, 1024, 4>}, {transform_indices = @transform_1, window_bounds = array<i64: 1, 5, 1024>}, {transform_indices = @transform_2, window_bounds = array<i64: 1, 1024, 1>}, {transform_indices = @transform_3, window_bounds = array<i64: 1, 1, 1024>}, {transform_indices = @transform_4, window_bounds = array<i64: 1, 128, 8>}]} {
    %get3A = arith.constant 0 : index
    %get3A_0 = arith.constant 0 : index
    %get3A_1 = arith.constant 0 : index
    %get3A_2 = vector.load %arg1[%get3A, %get3A_0, %get3A_1] : memref<1x1024x4xf32, #tpu.memory_space<vmem>>, vector<1x1024x4xf32>
    %get3A_3 = vector.shape_cast %get3A_2 : vector<1x1024x4xf32> to vector<1024x4xf32>
    %get3A_4 = arith.constant 0 : index
    %get3A_5 = arith.constant 0 : index
    %get3A_6 = arith.constant 0 : index
    %get3A_7 = vector.load %arg3[%get3A_4, %get3A_5, %get3A_6] : memref<1x1024x1xf32, #tpu.memory_space<vmem>>, vector<1x1024x1xf32>
    %get3A_8 = vector.shape_cast %get3A_7 : vector<1x1024x1xf32> to vector<1024x1xf32>
    %get3A_9 = arith.constant 0 : index
    %get3A_10 = arith.constant 0 : index
    %get3A_11 = arith.constant 0 : index
    %get3A_12 = vector.load %arg2[%get3A_9, %get3A_10, %get3A_11] : memref<1x5x1024xf32, #tpu.memory_space<vmem>>, vector<1x5x1024xf32>
    %get3A_13 = vector.shape_cast %get3A_12 : vector<1x5x1024xf32> to vector<5x1024xf32>
    %get3A_14 = arith.constant 0 : index
    %get3A_15 = arith.constant 0 : index
    %get3A_16 = arith.constant 0 : index
    %get3A_17 = vector.load %arg4[%get3A_14, %get3A_15, %get3A_16] : memref<1x1x1024xf32, #tpu.memory_space<vmem>>, vector<1x1x1024xf32>
    %get3A_18 = vector.shape_cast %get3A_17 : vector<1x1x1024xf32> to vector<1x1024xf32>
    %mul3A = arith.constant 1.000000e+04 : f32
    %mul3A_19 = vector.broadcast %mul3A : f32 to vector<1024x1xf32>
    %mul3A_20 = arith.mulf %get3A_8, %mul3A_19 : vector<1024x1xf32>
    %add3A = vector.broadcast %mul3A_20 : vector<1024x1xf32> to vector<1024x4xf32>
    %add3A_21 = arith.addf %get3A_3, %add3A : vector<1024x4xf32>
    %slice3A = vector.extract_strided_slice %add3A_21 {offsets = [0, 0], sizes = [1024, 1], strides = [1, 1]} : vector<1024x4xf32> to vector<1024x1xf32>
    %slice3A_22 = vector.extract_strided_slice %add3A_21 {offsets = [0, 1], sizes = [1024, 1], strides = [1, 1]} : vector<1024x4xf32> to vector<1024x1xf32>
    %slice3A_23 = vector.extract_strided_slice %add3A_21 {offsets = [0, 2], sizes = [1024, 1], strides = [1, 1]} : vector<1024x4xf32> to vector<1024x1xf32>
    %slice3A_24 = vector.extract_strided_slice %add3A_21 {offsets = [0, 3], sizes = [1024, 1], strides = [1, 1]} : vector<1024x4xf32> to vector<1024x1xf32>
    %sub3A = arith.subf %slice3A_23, %slice3A : vector<1024x1xf32>
    %max3A = arith.constant 0.000000e+00 : f32
    %max3A_25 = vector.broadcast %max3A : f32 to vector<1024x1xf32>
    %max3A_26 = arith.maximumf %sub3A, %max3A_25 : vector<1024x1xf32>
    %sub3A_27 = arith.subf %slice3A_24, %slice3A_22 : vector<1024x1xf32>
    %max3A_28 = arith.constant 0.000000e+00 : f32
    %max3A_29 = vector.broadcast %max3A_28 : f32 to vector<1024x1xf32>
    %max3A_30 = arith.maximumf %sub3A_27, %max3A_29 : vector<1024x1xf32>
    %mul3A_31 = arith.mulf %max3A_26, %max3A_30 : vector<1024x1xf32>
    %slice3A_32 = vector.extract_strided_slice %get3A_13 {offsets = [4, 0], sizes = [1, 1024], strides = [1, 1]} : vector<5x1024xf32> to vector<1x1024xf32>
    %slice3A_33 = vector.extract_strided_slice %get3A_13 {offsets = [0, 0], sizes = [1, 1024], strides = [1, 1]} : vector<5x1024xf32> to vector<1x1024xf32>
    %mul3A_34 = arith.constant 1.000000e+04 : f32
    %mul3A_35 = vector.broadcast %mul3A_34 : f32 to vector<1x1024xf32>
    %mul3A_36 = arith.mulf %slice3A_32, %mul3A_35 : vector<1x1024xf32>
    %add3A_37 = arith.addf %slice3A_33, %mul3A_36 : vector<1x1024xf32>
    %slice3A_38 = vector.extract_strided_slice %get3A_13 {offsets = [1, 0], sizes = [1, 1024], strides = [1, 1]} : vector<5x1024xf32> to vector<1x1024xf32>
    %mul3A_39 = arith.constant 1.000000e+04 : f32
    %mul3A_40 = vector.broadcast %mul3A_39 : f32 to vector<1x1024xf32>
    %mul3A_41 = arith.mulf %slice3A_32, %mul3A_40 : vector<1x1024xf32>
    %add3A_42 = arith.addf %slice3A_38, %mul3A_41 : vector<1x1024xf32>
    %slice3A_43 = vector.extract_strided_slice %get3A_13 {offsets = [2, 0], sizes = [1, 1024], strides = [1, 1]} : vector<5x1024xf32> to vector<1x1024xf32>
    %mul3A_44 = arith.constant 1.000000e+04 : f32
    %mul3A_45 = vector.broadcast %mul3A_44 : f32 to vector<1x1024xf32>
    %mul3A_46 = arith.mulf %slice3A_32, %mul3A_45 : vector<1x1024xf32>
    %add3A_47 = arith.addf %slice3A_43, %mul3A_46 : vector<1x1024xf32>
    %slice3A_48 = vector.extract_strided_slice %get3A_13 {offsets = [3, 0], sizes = [1, 1024], strides = [1, 1]} : vector<5x1024xf32> to vector<1x1024xf32>
    %mul3A_49 = arith.constant 1.000000e+04 : f32
    %mul3A_50 = vector.broadcast %mul3A_49 : f32 to vector<1x1024xf32>
    %mul3A_51 = arith.mulf %slice3A_32, %mul3A_50 : vector<1x1024xf32>
    %add3A_52 = arith.addf %slice3A_48, %mul3A_51 : vector<1x1024xf32>
    %sub3A_53 = arith.subf %add3A_47, %add3A_37 : vector<1x1024xf32>
    %max3A_54 = arith.constant 0.000000e+00 : f32
    %max3A_55 = vector.broadcast %max3A_54 : f32 to vector<1x1024xf32>
    %max3A_56 = arith.maximumf %sub3A_53, %max3A_55 : vector<1x1024xf32>
    %sub3A_57 = arith.subf %add3A_52, %add3A_42 : vector<1x1024xf32>
    %max3A_58 = arith.constant 0.000000e+00 : f32
    %max3A_59 = vector.broadcast %max3A_58 : f32 to vector<1x1024xf32>
    %max3A_60 = arith.maximumf %sub3A_57, %max3A_59 : vector<1x1024xf32>
    %mul3A_61 = arith.mulf %max3A_56, %max3A_60 : vector<1x1024xf32>
    %iota3A = tpu.iota {dimensions = array<i32: 1>} : vector<128x1024xi32>
    %slice3A_62 = vector.extract_strided_slice %slice3A {offsets = [0, 0], sizes = [128, 1], strides = [1, 1]} : vector<1024x1xf32> to vector<128x1xf32>
    %max3A_63 = vector.broadcast %slice3A_62 : vector<128x1xf32> to vector<128x1024xf32>
    %max3A_64 = vector.broadcast %add3A_37 : vector<1x1024xf32> to vector<128x1024xf32>
    %max3A_65 = arith.maximumf %max3A_63, %max3A_64 : vector<128x1024xf32>
    %slice3A_66 = vector.extract_strided_slice %slice3A_22 {offsets = [0, 0], sizes = [128, 1], strides = [1, 1]} : vector<1024x1xf32> to vector<128x1xf32>
    %max3A_67 = vector.broadcast %slice3A_66 : vector<128x1xf32> to vector<128x1024xf32>
    %max3A_68 = vector.broadcast %add3A_42 : vector<1x1024xf32> to vector<128x1024xf32>
    %max3A_69 = arith.maximumf %max3A_67, %max3A_68 : vector<128x1024xf32>
    %slice3A_70 = vector.extract_strided_slice %slice3A_23 {offsets = [0, 0], sizes = [128, 1], strides = [1, 1]} : vector<1024x1xf32> to vector<128x1xf32>
    %min3A = vector.broadcast %slice3A_70 : vector<128x1xf32> to vector<128x1024xf32>
    %min3A_71 = vector.broadcast %add3A_47 : vector<1x1024xf32> to vector<128x1024xf32>
    %min3A_72 = arith.minimumf %min3A, %min3A_71 : vector<128x1024xf32>
    %slice3A_73 = vector.extract_strided_slice %slice3A_24 {offsets = [0, 0], sizes = [128, 1], strides = [1, 1]} : vector<1024x1xf32> to vector<128x1xf32>
    %min3A_74 = vector.broadcast %slice3A_73 : vector<128x1xf32> to vector<128x1024xf32>
    %min3A_75 = vector.broadcast %add3A_52 : vector<1x1024xf32> to vector<128x1024xf32>
    %min3A_76 = arith.minimumf %min3A_74, %min3A_75 : vector<128x1024xf32>
    %sub3A_77 = arith.subf %min3A_72, %max3A_65 : vector<128x1024xf32>
    %max3A_78 = arith.constant 0.000000e+00 : f32
    %max3A_79 = vector.broadcast %max3A_78 : f32 to vector<128x1024xf32>
    %max3A_80 = arith.maximumf %sub3A_77, %max3A_79 : vector<128x1024xf32>
    %sub3A_81 = arith.subf %min3A_76, %max3A_69 : vector<128x1024xf32>
    %max3A_82 = arith.constant 0.000000e+00 : f32
    %max3A_83 = vector.broadcast %max3A_82 : f32 to vector<128x1024xf32>
    %max3A_84 = arith.maximumf %sub3A_81, %max3A_83 : vector<128x1024xf32>
    %mul3A_85 = arith.mulf %max3A_80, %max3A_84 : vector<128x1024xf32>
    %slice3A_86 = vector.extract_strided_slice %mul3A_31 {offsets = [0, 0], sizes = [128, 1], strides = [1, 1]} : vector<1024x1xf32> to vector<128x1xf32>
    %add3A_87 = vector.broadcast %slice3A_86 : vector<128x1xf32> to vector<128x1024xf32>
    %add3A_88 = vector.broadcast %mul3A_61 : vector<1x1024xf32> to vector<128x1024xf32>
    %add3A_89 = arith.addf %add3A_87, %add3A_88 : vector<128x1024xf32>
    %sub3A_90 = arith.subf %add3A_89, %mul3A_85 : vector<128x1024xf32>
    %add3A_91 = arith.constant 9.99999971E-10 : f32
    %add3A_92 = vector.broadcast %add3A_91 : f32 to vector<128x1024xf32>
    %add3A_93 = arith.addf %sub3A_90, %add3A_92 : vector<128x1024xf32>
    %div3A = arith.divf %mul3A_85, %add3A_93 : vector<128x1024xf32>
    %iota3A_94 = tpu.iota {dimensions = array<i32: 0>} : vector<128x1024xi32>
    %add3A_95 = arith.constant 0 : i32
    %add3A_96 = vector.broadcast %add3A_95 : i32 to vector<128x1024xi32>
    %add3A_97 = arith.addi %iota3A_94, %add3A_96 : vector<128x1024xi32>
    %gt3A = arith.constant 5.000000e-01 : f32
    %gt3A_98 = vector.broadcast %gt3A : f32 to vector<128x1024xf32>
    %gt3A_99 = arith.cmpf ogt, %div3A, %gt3A_98 : vector<128x1024xf32>
    %gt3A_100 = arith.cmpi sgt, %iota3A, %add3A_97 : vector<128x1024xi32>
    %and3A = arith.andi %gt3A_99, %gt3A_100 : vector<128x1024xi1>
    %convert_element_type3A = arith.extui %and3A : vector<128x1024xi1> to vector<128x1024xi32>
    %convert_element_type3A_101 = arith.sitofp %convert_element_type3A : vector<128x1024xi32> to vector<128x1024xf32>
    %swap3A = arith.constant 0 : index
    %swap3A_102 = arith.constant 0 : index
    %swap3A_103 = vector.load %arg6[%swap3A, %swap3A_102] : memref<1024x1024xf32, #tpu.memory_space<vmem>>, vector<128x1024xf32>
    tpu.vector_store %arg6[%swap3A, %swap3A_102], %convert_element_type3A_101 {strides = array<i32>} : memref<1024x1024xf32, #tpu.memory_space<vmem>>, vector<128x1024xf32>,
    %slice3A_104 = vector.extract_strided_slice %slice3A {offsets = [128, 0], sizes = [128, 1], strides = [1, 1]} : vector<1024x1xf32> to vector<128x1xf32>
    %max3A_105 = vector.broadcast %slice3A_104 : vector<128x1xf32> to vector<128x1024xf32>
    %max3A_106 = vector.broadcast %add3A_37 : vector<1x1024xf32> to vector<128x1024xf32>
    %max3A_107 = arith.maximumf %max3A_105, %max3A_106 : vector<128x1024xf32>
    %slice3A_108 = vector.extract_strided_slice %slice3A_22 {offsets = [128, 0], sizes = [128, 1], strides = [1, 1]} : vector<1024x1xf32> to vector<128x1xf32>
    %max3A_109 = vector.broadcast %slice3A_108 : vector<128x1xf32> to vector<128x1024xf32>
    %max3A_110 = vector.broadcast %add3A_42 : vector<1x1024xf32> to vector<128x1024xf32>
    %max3A_111 = arith.maximumf %max3A_109, %max3A_110 : vector<128x1024xf32>
    %slice3A_112 = vector.extract_strided_slice %slice3A_23 {offsets = [128, 0], sizes = [128, 1], strides = [1, 1]} : vector<1024x1xf32> to vector<128x1xf32>
    %min3A_113 = vector.broadcast %slice3A_112 : vector<128x1xf32> to vector<128x1024xf32>
    %min3A_114 = vector.broadcast %add3A_47 : vector<1x1024xf32> to vector<128x1024xf32>
    %min3A_115 = arith.minimumf %min3A_113, %min3A_114 : vector<128x1024xf32>
    %slice3A_116 = vector.extract_strided_slice %slice3A_24 {offsets = [128, 0], sizes = [128, 1], strides = [1, 1]} : vector<1024x1xf32> to vector<128x1xf32>
    %min3A_117 = vector.broadcast %slice3A_116 : vector<128x1xf32> to vector<128x1024xf32>
    %min3A_118 = vector.broadcast %add3A_52 : vector<1x1024xf32> to vector<128x1024xf32>
    %min3A_119 = arith.minimumf %min3A_117, %min3A_118 : vector<128x1024xf32>
    %sub3A_120 = arith.subf %min3A_115, %max3A_107 : vector<128x1024xf32>
    %max3A_121 = arith.constant 0.000000e+00 : f32
    %max3A_122 = vector.broadcast %max3A_121 : f32 to vector<128x1024xf32>
    %max3A_123 = arith.maximumf %sub3A_120, %max3A_122 : vector<128x1024xf32>
    %sub3A_124 = arith.subf %min3A_119, %max3A_111 : vector<128x1024xf32>
    %max3A_125 = arith.constant 0.000000e+00 : f32
    %max3A_126 = vector.broadcast %max3A_125 : f32 to vector<128x1024xf32>
    %max3A_127 = arith.maximumf %sub3A_124, %max3A_126 : vector<128x1024xf32>
    %mul3A_128 = arith.mulf %max3A_123, %max3A_127 : vector<128x1024xf32>
    %slice3A_129 = vector.extract_strided_slice %mul3A_31 {offsets = [128, 0], sizes = [128, 1], strides = [1, 1]} : vector<1024x1xf32> to vector<128x1xf32>
    %add3A_130 = vector.broadcast %slice3A_129 : vector<128x1xf32> to vector<128x1024xf32>
    %add3A_131 = vector.broadcast %mul3A_61 : vector<1x1024xf32> to vector<128x1024xf32>
    %add3A_132 = arith.addf %add3A_130, %add3A_131 : vector<128x1024xf32>
    %sub3A_133 = arith.subf %add3A_132, %mul3A_128 : vector<128x1024xf32>
    %add3A_134 = arith.constant 9.99999971E-10 : f32
    %add3A_135 = vector.broadcast %add3A_134 : f32 to vector<128x1024xf32>
    %add3A_136 = arith.addf %sub3A_133, %add3A_135 : vector<128x1024xf32>
    %div3A_137 = arith.divf %mul3A_128, %add3A_136 : vector<128x1024xf32>
    %iota3A_138 = tpu.iota {dimensions = array<i32: 0>} : vector<128x1024xi32>
    %add3A_139 = arith.constant 128 : i32
    %add3A_140 = vector.broadcast %add3A_139 : i32 to vector<128x1024xi32>
    %add3A_141 = arith.addi %iota3A_138, %add3A_140 : vector<128x1024xi32>
    %gt3A_142 = arith.constant 5.000000e-01 : f32
    %gt3A_143 = vector.broadcast %gt3A_142 : f32 to vector<128x1024xf32>
    %gt3A_144 = arith.cmpf ogt, %div3A_137, %gt3A_143 : vector<128x1024xf32>
    %gt3A_145 = arith.cmpi sgt, %iota3A, %add3A_141 : vector<128x1024xi32>
    %and3A_146 = arith.andi %gt3A_144, %gt3A_145 : vector<128x1024xi1>
    %convert_element_type3A_147 = arith.extui %and3A_146 : vector<128x1024xi1> to vector<128x1024xi32>
    %convert_element_type3A_148 = arith.sitofp %convert_element_type3A_147 : vector<128x1024xi32> to vector<128x1024xf32>
    %swap3A_149 = arith.constant 128 : index
    %swap3A_150 = arith.constant 0 : index
    %swap3A_151 = vector.load %arg6[%swap3A_149, %swap3A_150] : memref<1024x1024xf32, #tpu.memory_space<vmem>>, vector<128x1024xf32>
    tpu.vector_store %arg6[%swap3A_149, %swap3A_150], %convert_element_type3A_148 {strides = array<i32>} : memref<1024x1024xf32, #tpu.memory_space<vmem>>, vector<128x1024xf32>,
    %slice3A_152 = vector.extract_strided_slice %slice3A {offsets = [256, 0], sizes = [128, 1], strides = [1, 1]} : vector<1024x1xf32> to vector<128x1xf32>
    %max3A_153 = vector.broadcast %slice3A_152 : vector<128x1xf32> to vector<128x1024xf32>
    %max3A_154 = vector.broadcast %add3A_37 : vector<1x1024xf32> to vector<128x1024xf32>
    %max3A_155 = arith.maximumf %max3A_153, %max3A_154 : vector<128x1024xf32>
    %slice3A_156 = vector.extract_strided_slice %slice3A_22 {offsets = [256, 0], sizes = [128, 1], strides = [1, 1]} : vector<1024x1xf32> to vector<128x1xf32>
    %max3A_157 = vector.broadcast %slice3A_156 : vector<128x1xf32> to vector<128x1024xf32>
    %max3A_158 = vector.broadcast %add3A_42 : vector<1x1024xf32> to vector<128x1024xf32>
    %max3A_159 = arith.maximumf %max3A_157, %max3A_158 : vector<128x1024xf32>
    %slice3A_160 = vector.extract_strided_slice %slice3A_23 {offsets = [256, 0], sizes = [128, 1], strides = [1, 1]} : vector<1024x1xf32> to vector<128x1xf32>
    %min3A_161 = vector.broadcast %slice3A_160 : vector<128x1xf32> to vector<128x1024xf32>
    %min3A_162 = vector.broadcast %add3A_47 : vector<1x1024xf32> to vector<128x1024xf32>
    %min3A_163 = arith.minimumf %min3A_161, %min3A_162 : vector<128x1024xf32>
    %slice3A_164 = vector.extract_strided_slice %slice3A_24 {offsets = [256, 0], sizes = [128, 1], strides = [1, 1]} : vector<1024x1xf32> to vector<128x1xf32>
    %min3A_165 = vector.broadcast %slice3A_164 : vector<128x1xf32> to vector<128x1024xf32>
    %min3A_166 = vector.broadcast %add3A_52 : vector<1x1024xf32> to vector<128x1024xf32>
    %min3A_167 = arith.minimumf %min3A_165, %min3A_166 : vector<128x1024xf32>
    %sub3A_168 = arith.subf %min3A_163, %max3A_155 : vector<128x1024xf32>
    %max3A_169 = arith.constant 0.000000e+00 : f32
    %max3A_170 = vector.broadcast %max3A_169 : f32 to vector<128x1024xf32>
    %max3A_171 = arith.maximumf %sub3A_168, %max3A_170 : vector<128x1024xf32>
    %sub3A_172 = arith.subf %min3A_167, %max3A_159 : vector<128x1024xf32>
    %max3A_173 = arith.constant 0.000000e+00 : f32
    %max3A_174 = vector.broadcast %max3A_173 : f32 to vector<128x1024xf32>
    %max3A_175 = arith.maximumf %sub3A_172, %max3A_174 : vector<128x1024xf32>
    %mul3A_176 = arith.mulf %max3A_171, %max3A_175 : vector<128x1024xf32>
    %slice3A_177 = vector.extract_strided_slice %mul3A_31 {offsets = [256, 0], sizes = [128, 1], strides = [1, 1]} : vector<1024x1xf32> to vector<128x1xf32>
    %add3A_178 = vector.broadcast %slice3A_177 : vector<128x1xf32> to vector<128x1024xf32>
    %add3A_179 = vector.broadcast %mul3A_61 : vector<1x1024xf32> to vector<128x1024xf32>
    %add3A_180 = arith.addf %add3A_178, %add3A_179 : vector<128x1024xf32>
    %sub3A_181 = arith.subf %add3A_180, %mul3A_176 : vector<128x1024xf32>
    %add3A_182 = arith.constant 9.99999971E-10 : f32
    %add3A_183 = vector.broadcast %add3A_182 : f32 to vector<128x1024xf32>
    %add3A_184 = arith.addf %sub3A_181, %add3A_183 : vector<128x1024xf32>
    %div3A_185 = arith.divf %mul3A_176, %add3A_184 : vector<128x1024xf32>
    %iota3A_186 = tpu.iota {dimensions = array<i32: 0>} : vector<128x1024xi32>
    %add3A_187 = arith.constant 256 : i32
    %add3A_188 = vector.broadcast %add3A_187 : i32 to vector<128x1024xi32>
    %add3A_189 = arith.addi %iota3A_186, %add3A_188 : vector<128x1024xi32>
    %gt3A_190 = arith.constant 5.000000e-01 : f32
    %gt3A_191 = vector.broadcast %gt3A_190 : f32 to vector<128x1024xf32>
    %gt3A_192 = arith.cmpf ogt, %div3A_185, %gt3A_191 : vector<128x1024xf32>
    %gt3A_193 = arith.cmpi sgt, %iota3A, %add3A_189 : vector<128x1024xi32>
    %and3A_194 = arith.andi %gt3A_192, %gt3A_193 : vector<128x1024xi1>
    %convert_element_type3A_195 = arith.extui %and3A_194 : vector<128x1024xi1> to vector<128x1024xi32>
    %convert_element_type3A_196 = arith.sitofp %convert_element_type3A_195 : vector<128x1024xi32> to vector<128x1024xf32>
    %swap3A_197 = arith.constant 256 : index
    %swap3A_198 = arith.constant 0 : index
    %swap3A_199 = vector.load %arg6[%swap3A_197, %swap3A_198] : memref<1024x1024xf32, #tpu.memory_space<vmem>>, vector<128x1024xf32>
    tpu.vector_store %arg6[%swap3A_197, %swap3A_198], %convert_element_type3A_196 {strides = array<i32>} : memref<1024x1024xf32, #tpu.memory_space<vmem>>, vector<128x1024xf32>,
    %slice3A_200 = vector.extract_strided_slice %slice3A {offsets = [384, 0], sizes = [128, 1], strides = [1, 1]} : vector<1024x1xf32> to vector<128x1xf32>
    %max3A_201 = vector.broadcast %slice3A_200 : vector<128x1xf32> to vector<128x1024xf32>
    %max3A_202 = vector.broadcast %add3A_37 : vector<1x1024xf32> to vector<128x1024xf32>
    %max3A_203 = arith.maximumf %max3A_201, %max3A_202 : vector<128x1024xf32>
    %slice3A_204 = vector.extract_strided_slice %slice3A_22 {offsets = [384, 0], sizes = [128, 1], strides = [1, 1]} : vector<1024x1xf32> to vector<128x1xf32>
    %max3A_205 = vector.broadcast %slice3A_204 : vector<128x1xf32> to vector<128x1024xf32>
    %max3A_206 = vector.broadcast %add3A_42 : vector<1x1024xf32> to vector<128x1024xf32>
    %max3A_207 = arith.maximumf %max3A_205, %max3A_206 : vector<128x1024xf32>
    %slice3A_208 = vector.extract_strided_slice %slice3A_23 {offsets = [384, 0], sizes = [128, 1], strides = [1, 1]} : vector<1024x1xf32> to vector<128x1xf32>
    %min3A_209 = vector.broadcast %slice3A_208 : vector<128x1xf32> to vector<128x1024xf32>
    %min3A_210 = vector.broadcast %add3A_47 : vector<1x1024xf32> to vector<128x1024xf32>
    %min3A_211 = arith.minimumf %min3A_209, %min3A_210 : vector<128x1024xf32>
    %slice3A_212 = vector.extract_strided_slice %slice3A_24 {offsets = [384, 0], sizes = [128, 1], strides = [1, 1]} : vector<1024x1xf32> to vector<128x1xf32>
    %min3A_213 = vector.broadcast %slice3A_212 : vector<128x1xf32> to vector<128x1024xf32>
    %min3A_214 = vector.broadcast %add3A_52 : vector<1x1024xf32> to vector<128x1024xf32>
    %min3A_215 = arith.minimumf %min3A_213, %min3A_214 : vector<128x1024xf32>
    %sub3A_216 = arith.subf %min3A_211, %max3A_203 : vector<128x1024xf32>
    %max3A_217 = arith.constant 0.000000e+00 : f32
    %max3A_218 = vector.broadcast %max3A_217 : f32 to vector<128x1024xf32>
    %max3A_219 = arith.maximumf %sub3A_216, %max3A_218 : vector<128x1024xf32>
    %sub3A_220 = arith.subf %min3A_215, %max3A_207 : vector<128x1024xf32>
    %max3A_221 = arith.constant 0.000000e+00 : f32
    %max3A_222 = vector.broadcast %max3A_221 : f32 to vector<128x1024xf32>
    %max3A_223 = arith.maximumf %sub3A_220, %max3A_222 : vector<128x1024xf32>
    %mul3A_224 = arith.mulf %max3A_219, %max3A_223 : vector<128x1024xf32>
    %slice3A_225 = vector.extract_strided_slice %mul3A_31 {offsets = [384, 0], sizes = [128, 1], strides = [1, 1]} : vector<1024x1xf32> to vector<128x1xf32>
    %add3A_226 = vector.broadcast %slice3A_225 : vector<128x1xf32> to vector<128x1024xf32>
    %add3A_227 = vector.broadcast %mul3A_61 : vector<1x1024xf32> to vector<128x1024xf32>
    %add3A_228 = arith.addf %add3A_226, %add3A_227 : vector<128x1024xf32>
    %sub3A_229 = arith.subf %add3A_228, %mul3A_224 : vector<128x1024xf32>
    %add3A_230 = arith.constant 9.99999971E-10 : f32
    %add3A_231 = vector.broadcast %add3A_230 : f32 to vector<128x1024xf32>
    %add3A_232 = arith.addf %sub3A_229, %add3A_231 : vector<128x1024xf32>
    %div3A_233 = arith.divf %mul3A_224, %add3A_232 : vector<128x1024xf32>
    %iota3A_234 = tpu.iota {dimensions = array<i32: 0>} : vector<128x1024xi32>
    %add3A_235 = arith.constant 384 : i32
    %add3A_236 = vector.broadcast %add3A_235 : i32 to vector<128x1024xi32>
    %add3A_237 = arith.addi %iota3A_234, %add3A_236 : vector<128x1024xi32>
    %gt3A_238 = arith.constant 5.000000e-01 : f32
    %gt3A_239 = vector.broadcast %gt3A_238 : f32 to vector<128x1024xf32>
    %gt3A_240 = arith.cmpf ogt, %div3A_233, %gt3A_239 : vector<128x1024xf32>
    %gt3A_241 = arith.cmpi sgt, %iota3A, %add3A_237 : vector<128x1024xi32>
    %and3A_242 = arith.andi %gt3A_240, %gt3A_241 : vector<128x1024xi1>
    %convert_element_type3A_243 = arith.extui %and3A_242 : vector<128x1024xi1> to vector<128x1024xi32>
    %convert_element_type3A_244 = arith.sitofp %convert_element_type3A_243 : vector<128x1024xi32> to vector<128x1024xf32>
    %swap3A_245 = arith.constant 384 : index
    %swap3A_246 = arith.constant 0 : index
    %swap3A_247 = vector.load %arg6[%swap3A_245, %swap3A_246] : memref<1024x1024xf32, #tpu.memory_space<vmem>>, vector<128x1024xf32>
    tpu.vector_store %arg6[%swap3A_245, %swap3A_246], %convert_element_type3A_244 {strides = array<i32>} : memref<1024x1024xf32, #tpu.memory_space<vmem>>, vector<128x1024xf32>,
    %slice3A_248 = vector.extract_strided_slice %slice3A {offsets = [512, 0], sizes = [128, 1], strides = [1, 1]} : vector<1024x1xf32> to vector<128x1xf32>
    %max3A_249 = vector.broadcast %slice3A_248 : vector<128x1xf32> to vector<128x1024xf32>
    %max3A_250 = vector.broadcast %add3A_37 : vector<1x1024xf32> to vector<128x1024xf32>
    %max3A_251 = arith.maximumf %max3A_249, %max3A_250 : vector<128x1024xf32>
    %slice3A_252 = vector.extract_strided_slice %slice3A_22 {offsets = [512, 0], sizes = [128, 1], strides = [1, 1]} : vector<1024x1xf32> to vector<128x1xf32>
    %max3A_253 = vector.broadcast %slice3A_252 : vector<128x1xf32> to vector<128x1024xf32>
    %max3A_254 = vector.broadcast %add3A_42 : vector<1x1024xf32> to vector<128x1024xf32>
    %max3A_255 = arith.maximumf %max3A_253, %max3A_254 : vector<128x1024xf32>
    %slice3A_256 = vector.extract_strided_slice %slice3A_23 {offsets = [512, 0], sizes = [128, 1], strides = [1, 1]} : vector<1024x1xf32> to vector<128x1xf32>
    %min3A_257 = vector.broadcast %slice3A_256 : vector<128x1xf32> to vector<128x1024xf32>
    %min3A_258 = vector.broadcast %add3A_47 : vector<1x1024xf32> to vector<128x1024xf32>
    %min3A_259 = arith.minimumf %min3A_257, %min3A_258 : vector<128x1024xf32>
    %slice3A_260 = vector.extract_strided_slice %slice3A_24 {offsets = [512, 0], sizes = [128, 1], strides = [1, 1]} : vector<1024x1xf32> to vector<128x1xf32>
    %min3A_261 = vector.broadcast %slice3A_260 : vector<128x1xf32> to vector<128x1024xf32>
    %min3A_262 = vector.broadcast %add3A_52 : vector<1x1024xf32> to vector<128x1024xf32>
    %min3A_263 = arith.minimumf %min3A_261, %min3A_262 : vector<128x1024xf32>
    %sub3A_264 = arith.subf %min3A_259, %max3A_251 : vector<128x1024xf32>
    %max3A_265 = arith.constant 0.000000e+00 : f32
    %max3A_266 = vector.broadcast %max3A_265 : f32 to vector<128x1024xf32>
    %max3A_267 = arith.maximumf %sub3A_264, %max3A_266 : vector<128x1024xf32>
    %sub3A_268 = arith.subf %min3A_263, %max3A_255 : vector<128x1024xf32>
    %max3A_269 = arith.constant 0.000000e+00 : f32
    %max3A_270 = vector.broadcast %max3A_269 : f32 to vector<128x1024xf32>
    %max3A_271 = arith.maximumf %sub3A_268, %max3A_270 : vector<128x1024xf32>
    %mul3A_272 = arith.mulf %max3A_267, %max3A_271 : vector<128x1024xf32>
    %slice3A_273 = vector.extract_strided_slice %mul3A_31 {offsets = [512, 0], sizes = [128, 1], strides = [1, 1]} : vector<1024x1xf32> to vector<128x1xf32>
    %add3A_274 = vector.broadcast %slice3A_273 : vector<128x1xf32> to vector<128x1024xf32>
    %add3A_275 = vector.broadcast %mul3A_61 : vector<1x1024xf32> to vector<128x1024xf32>
    %add3A_276 = arith.addf %add3A_274, %add3A_275 : vector<128x1024xf32>
    %sub3A_277 = arith.subf %add3A_276, %mul3A_272 : vector<128x1024xf32>
    %add3A_278 = arith.constant 9.99999971E-10 : f32
    %add3A_279 = vector.broadcast %add3A_278 : f32 to vector<128x1024xf32>
    %add3A_280 = arith.addf %sub3A_277, %add3A_279 : vector<128x1024xf32>
    %div3A_281 = arith.divf %mul3A_272, %add3A_280 : vector<128x1024xf32>
    %iota3A_282 = tpu.iota {dimensions = array<i32: 0>} : vector<128x1024xi32>
    %add3A_283 = arith.constant 512 : i32
    %add3A_284 = vector.broadcast %add3A_283 : i32 to vector<128x1024xi32>
    %add3A_285 = arith.addi %iota3A_282, %add3A_284 : vector<128x1024xi32>
    %gt3A_286 = arith.constant 5.000000e-01 : f32
    %gt3A_287 = vector.broadcast %gt3A_286 : f32 to vector<128x1024xf32>
    %gt3A_288 = arith.cmpf ogt, %div3A_281, %gt3A_287 : vector<128x1024xf32>
    %gt3A_289 = arith.cmpi sgt, %iota3A, %add3A_285 : vector<128x1024xi32>
    %and3A_290 = arith.andi %gt3A_288, %gt3A_289 : vector<128x1024xi1>
    %convert_element_type3A_291 = arith.extui %and3A_290 : vector<128x1024xi1> to vector<128x1024xi32>
    %convert_element_type3A_292 = arith.sitofp %convert_element_type3A_291 : vector<128x1024xi32> to vector<128x1024xf32>
    %swap3A_293 = arith.constant 512 : index
    %swap3A_294 = arith.constant 0 : index
    %swap3A_295 = vector.load %arg6[%swap3A_293, %swap3A_294] : memref<1024x1024xf32, #tpu.memory_space<vmem>>, vector<128x1024xf32>
    tpu.vector_store %arg6[%swap3A_293, %swap3A_294], %convert_element_type3A_292 {strides = array<i32>} : memref<1024x1024xf32, #tpu.memory_space<vmem>>, vector<128x1024xf32>,
    %slice3A_296 = vector.extract_strided_slice %slice3A {offsets = [640, 0], sizes = [128, 1], strides = [1, 1]} : vector<1024x1xf32> to vector<128x1xf32>
    %max3A_297 = vector.broadcast %slice3A_296 : vector<128x1xf32> to vector<128x1024xf32>
    %max3A_298 = vector.broadcast %add3A_37 : vector<1x1024xf32> to vector<128x1024xf32>
    %max3A_299 = arith.maximumf %max3A_297, %max3A_298 : vector<128x1024xf32>
    %slice3A_300 = vector.extract_strided_slice %slice3A_22 {offsets = [640, 0], sizes = [128, 1], strides = [1, 1]} : vector<1024x1xf32> to vector<128x1xf32>
    %max3A_301 = vector.broadcast %slice3A_300 : vector<128x1xf32> to vector<128x1024xf32>
    %max3A_302 = vector.broadcast %add3A_42 : vector<1x1024xf32> to vector<128x1024xf32>
    %max3A_303 = arith.maximumf %max3A_301, %max3A_302 : vector<128x1024xf32>
    %slice3A_304 = vector.extract_strided_slice %slice3A_23 {offsets = [640, 0], sizes = [128, 1], strides = [1, 1]} : vector<1024x1xf32> to vector<128x1xf32>
    %min3A_305 = vector.broadcast %slice3A_304 : vector<128x1xf32> to vector<128x1024xf32>
    %min3A_306 = vector.broadcast %add3A_47 : vector<1x1024xf32> to vector<128x1024xf32>
    %min3A_307 = arith.minimumf %min3A_305, %min3A_306 : vector<128x1024xf32>
    %slice3A_308 = vector.extract_strided_slice %slice3A_24 {offsets = [640, 0], sizes = [128, 1], strides = [1, 1]} : vector<1024x1xf32> to vector<128x1xf32>
    %min3A_309 = vector.broadcast %slice3A_308 : vector<128x1xf32> to vector<128x1024xf32>
    %min3A_310 = vector.broadcast %add3A_52 : vector<1x1024xf32> to vector<128x1024xf32>
    %min3A_311 = arith.minimumf %min3A_309, %min3A_310 : vector<128x1024xf32>
    %sub3A_312 = arith.subf %min3A_307, %max3A_299 : vector<128x1024xf32>
    %max3A_313 = arith.constant 0.000000e+00 : f32
    %max3A_314 = vector.broadcast %max3A_313 : f32 to vector<128x1024xf32>
    %max3A_315 = arith.maximumf %sub3A_312, %max3A_314 : vector<128x1024xf32>
    %sub3A_316 = arith.subf %min3A_311, %max3A_303 : vector<128x1024xf32>
    %max3A_317 = arith.constant 0.000000e+00 : f32
    %max3A_318 = vector.broadcast %max3A_317 : f32 to vector<128x1024xf32>
    %max3A_319 = arith.maximumf %sub3A_316, %max3A_318 : vector<128x1024xf32>
    %mul3A_320 = arith.mulf %max3A_315, %max3A_319 : vector<128x1024xf32>
    %slice3A_321 = vector.extract_strided_slice %mul3A_31 {offsets = [640, 0], sizes = [128, 1], strides = [1, 1]} : vector<1024x1xf32> to vector<128x1xf32>
    %add3A_322 = vector.broadcast %slice3A_321 : vector<128x1xf32> to vector<128x1024xf32>
    %add3A_323 = vector.broadcast %mul3A_61 : vector<1x1024xf32> to vector<128x1024xf32>
    %add3A_324 = arith.addf %add3A_322, %add3A_323 : vector<128x1024xf32>
    %sub3A_325 = arith.subf %add3A_324, %mul3A_320 : vector<128x1024xf32>
    %add3A_326 = arith.constant 9.99999971E-10 : f32
    %add3A_327 = vector.broadcast %add3A_326 : f32 to vector<128x1024xf32>
    %add3A_328 = arith.addf %sub3A_325, %add3A_327 : vector<128x1024xf32>
    %div3A_329 = arith.divf %mul3A_320, %add3A_328 : vector<128x1024xf32>
    %iota3A_330 = tpu.iota {dimensions = array<i32: 0>} : vector<128x1024xi32>
    %add3A_331 = arith.constant 640 : i32
    %add3A_332 = vector.broadcast %add3A_331 : i32 to vector<128x1024xi32>
    %add3A_333 = arith.addi %iota3A_330, %add3A_332 : vector<128x1024xi32>
    %gt3A_334 = arith.constant 5.000000e-01 : f32
    %gt3A_335 = vector.broadcast %gt3A_334 : f32 to vector<128x1024xf32>
    %gt3A_336 = arith.cmpf ogt, %div3A_329, %gt3A_335 : vector<128x1024xf32>
    %gt3A_337 = arith.cmpi sgt, %iota3A, %add3A_333 : vector<128x1024xi32>
    %and3A_338 = arith.andi %gt3A_336, %gt3A_337 : vector<128x1024xi1>
    %convert_element_type3A_339 = arith.extui %and3A_338 : vector<128x1024xi1> to vector<128x1024xi32>
    %convert_element_type3A_340 = arith.sitofp %convert_element_type3A_339 : vector<128x1024xi32> to vector<128x1024xf32>
    %swap3A_341 = arith.constant 640 : index
    %swap3A_342 = arith.constant 0 : index
    %swap3A_343 = vector.load %arg6[%swap3A_341, %swap3A_342] : memref<1024x1024xf32, #tpu.memory_space<vmem>>, vector<128x1024xf32>
    tpu.vector_store %arg6[%swap3A_341, %swap3A_342], %convert_element_type3A_340 {strides = array<i32>} : memref<1024x1024xf32, #tpu.memory_space<vmem>>, vector<128x1024xf32>,
    %slice3A_344 = vector.extract_strided_slice %slice3A {offsets = [768, 0], sizes = [128, 1], strides = [1, 1]} : vector<1024x1xf32> to vector<128x1xf32>
    %max3A_345 = vector.broadcast %slice3A_344 : vector<128x1xf32> to vector<128x1024xf32>
    %max3A_346 = vector.broadcast %add3A_37 : vector<1x1024xf32> to vector<128x1024xf32>
    %max3A_347 = arith.maximumf %max3A_345, %max3A_346 : vector<128x1024xf32>
    %slice3A_348 = vector.extract_strided_slice %slice3A_22 {offsets = [768, 0], sizes = [128, 1], strides = [1, 1]} : vector<1024x1xf32> to vector<128x1xf32>
    %max3A_349 = vector.broadcast %slice3A_348 : vector<128x1xf32> to vector<128x1024xf32>
    %max3A_350 = vector.broadcast %add3A_42 : vector<1x1024xf32> to vector<128x1024xf32>
    %max3A_351 = arith.maximumf %max3A_349, %max3A_350 : vector<128x1024xf32>
    %slice3A_352 = vector.extract_strided_slice %slice3A_23 {offsets = [768, 0], sizes = [128, 1], strides = [1, 1]} : vector<1024x1xf32> to vector<128x1xf32>
    %min3A_353 = vector.broadcast %slice3A_352 : vector<128x1xf32> to vector<128x1024xf32>
    %min3A_354 = vector.broadcast %add3A_47 : vector<1x1024xf32> to vector<128x1024xf32>
    %min3A_355 = arith.minimumf %min3A_353, %min3A_354 : vector<128x1024xf32>
    %slice3A_356 = vector.extract_strided_slice %slice3A_24 {offsets = [768, 0], sizes = [128, 1], strides = [1, 1]} : vector<1024x1xf32> to vector<128x1xf32>
    %min3A_357 = vector.broadcast %slice3A_356 : vector<128x1xf32> to vector<128x1024xf32>
    %min3A_358 = vector.broadcast %add3A_52 : vector<1x1024xf32> to vector<128x1024xf32>
    %min3A_359 = arith.minimumf %min3A_357, %min3A_358 : vector<128x1024xf32>
    %sub3A_360 = arith.subf %min3A_355, %max3A_347 : vector<128x1024xf32>
    %max3A_361 = arith.constant 0.000000e+00 : f32
    %max3A_362 = vector.broadcast %max3A_361 : f32 to vector<128x1024xf32>
    %max3A_363 = arith.maximumf %sub3A_360, %max3A_362 : vector<128x1024xf32>
    %sub3A_364 = arith.subf %min3A_359, %max3A_351 : vector<128x1024xf32>
    %max3A_365 = arith.constant 0.000000e+00 : f32
    %max3A_366 = vector.broadcast %max3A_365 : f32 to vector<128x1024xf32>
    %max3A_367 = arith.maximumf %sub3A_364, %max3A_366 : vector<128x1024xf32>
    %mul3A_368 = arith.mulf %max3A_363, %max3A_367 : vector<128x1024xf32>
    %slice3A_369 = vector.extract_strided_slice %mul3A_31 {offsets = [768, 0], sizes = [128, 1], strides = [1, 1]} : vector<1024x1xf32> to vector<128x1xf32>
    %add3A_370 = vector.broadcast %slice3A_369 : vector<128x1xf32> to vector<128x1024xf32>
    %add3A_371 = vector.broadcast %mul3A_61 : vector<1x1024xf32> to vector<128x1024xf32>
    %add3A_372 = arith.addf %add3A_370, %add3A_371 : vector<128x1024xf32>
    %sub3A_373 = arith.subf %add3A_372, %mul3A_368 : vector<128x1024xf32>
    %add3A_374 = arith.constant 9.99999971E-10 : f32
    %add3A_375 = vector.broadcast %add3A_374 : f32 to vector<128x1024xf32>
    %add3A_376 = arith.addf %sub3A_373, %add3A_375 : vector<128x1024xf32>
    %div3A_377 = arith.divf %mul3A_368, %add3A_376 : vector<128x1024xf32>
    %iota3A_378 = tpu.iota {dimensions = array<i32: 0>} : vector<128x1024xi32>
    %add3A_379 = arith.constant 768 : i32
    %add3A_380 = vector.broadcast %add3A_379 : i32 to vector<128x1024xi32>
    %add3A_381 = arith.addi %iota3A_378, %add3A_380 : vector<128x1024xi32>
    %gt3A_382 = arith.constant 5.000000e-01 : f32
    %gt3A_383 = vector.broadcast %gt3A_382 : f32 to vector<128x1024xf32>
    %gt3A_384 = arith.cmpf ogt, %div3A_377, %gt3A_383 : vector<128x1024xf32>
    %gt3A_385 = arith.cmpi sgt, %iota3A, %add3A_381 : vector<128x1024xi32>
    %and3A_386 = arith.andi %gt3A_384, %gt3A_385 : vector<128x1024xi1>
    %convert_element_type3A_387 = arith.extui %and3A_386 : vector<128x1024xi1> to vector<128x1024xi32>
    %convert_element_type3A_388 = arith.sitofp %convert_element_type3A_387 : vector<128x1024xi32> to vector<128x1024xf32>
    %swap3A_389 = arith.constant 768 : index
    %swap3A_390 = arith.constant 0 : index
    %swap3A_391 = vector.load %arg6[%swap3A_389, %swap3A_390] : memref<1024x1024xf32, #tpu.memory_space<vmem>>, vector<128x1024xf32>
    tpu.vector_store %arg6[%swap3A_389, %swap3A_390], %convert_element_type3A_388 {strides = array<i32>} : memref<1024x1024xf32, #tpu.memory_space<vmem>>, vector<128x1024xf32>,
    %slice3A_392 = vector.extract_strided_slice %slice3A {offsets = [896, 0], sizes = [128, 1], strides = [1, 1]} : vector<1024x1xf32> to vector<128x1xf32>
    %max3A_393 = vector.broadcast %slice3A_392 : vector<128x1xf32> to vector<128x1024xf32>
    %max3A_394 = vector.broadcast %add3A_37 : vector<1x1024xf32> to vector<128x1024xf32>
    %max3A_395 = arith.maximumf %max3A_393, %max3A_394 : vector<128x1024xf32>
    %slice3A_396 = vector.extract_strided_slice %slice3A_22 {offsets = [896, 0], sizes = [128, 1], strides = [1, 1]} : vector<1024x1xf32> to vector<128x1xf32>
    %max3A_397 = vector.broadcast %slice3A_396 : vector<128x1xf32> to vector<128x1024xf32>
    %max3A_398 = vector.broadcast %add3A_42 : vector<1x1024xf32> to vector<128x1024xf32>
    %max3A_399 = arith.maximumf %max3A_397, %max3A_398 : vector<128x1024xf32>
    %slice3A_400 = vector.extract_strided_slice %slice3A_23 {offsets = [896, 0], sizes = [128, 1], strides = [1, 1]} : vector<1024x1xf32> to vector<128x1xf32>
    %min3A_401 = vector.broadcast %slice3A_400 : vector<128x1xf32> to vector<128x1024xf32>
    %min3A_402 = vector.broadcast %add3A_47 : vector<1x1024xf32> to vector<128x1024xf32>
    %min3A_403 = arith.minimumf %min3A_401, %min3A_402 : vector<128x1024xf32>
    %slice3A_404 = vector.extract_strided_slice %slice3A_24 {offsets = [896, 0], sizes = [128, 1], strides = [1, 1]} : vector<1024x1xf32> to vector<128x1xf32>
    %min3A_405 = vector.broadcast %slice3A_404 : vector<128x1xf32> to vector<128x1024xf32>
    %min3A_406 = vector.broadcast %add3A_52 : vector<1x1024xf32> to vector<128x1024xf32>
    %min3A_407 = arith.minimumf %min3A_405, %min3A_406 : vector<128x1024xf32>
    %sub3A_408 = arith.subf %min3A_403, %max3A_395 : vector<128x1024xf32>
    %max3A_409 = arith.constant 0.000000e+00 : f32
    %max3A_410 = vector.broadcast %max3A_409 : f32 to vector<128x1024xf32>
    %max3A_411 = arith.maximumf %sub3A_408, %max3A_410 : vector<128x1024xf32>
    %sub3A_412 = arith.subf %min3A_407, %max3A_399 : vector<128x1024xf32>
    %max3A_413 = arith.constant 0.000000e+00 : f32
    %max3A_414 = vector.broadcast %max3A_413 : f32 to vector<128x1024xf32>
    %max3A_415 = arith.maximumf %sub3A_412, %max3A_414 : vector<128x1024xf32>
    %mul3A_416 = arith.mulf %max3A_411, %max3A_415 : vector<128x1024xf32>
    %slice3A_417 = vector.extract_strided_slice %mul3A_31 {offsets = [896, 0], sizes = [128, 1], strides = [1, 1]} : vector<1024x1xf32> to vector<128x1xf32>
    %add3A_418 = vector.broadcast %slice3A_417 : vector<128x1xf32> to vector<128x1024xf32>
    %add3A_419 = vector.broadcast %mul3A_61 : vector<1x1024xf32> to vector<128x1024xf32>
    %add3A_420 = arith.addf %add3A_418, %add3A_419 : vector<128x1024xf32>
    %sub3A_421 = arith.subf %add3A_420, %mul3A_416 : vector<128x1024xf32>
    %add3A_422 = arith.constant 9.99999971E-10 : f32
    %add3A_423 = vector.broadcast %add3A_422 : f32 to vector<128x1024xf32>
    %add3A_424 = arith.addf %sub3A_421, %add3A_423 : vector<128x1024xf32>
    %div3A_425 = arith.divf %mul3A_416, %add3A_424 : vector<128x1024xf32>
    %iota3A_426 = tpu.iota {dimensions = array<i32: 0>} : vector<128x1024xi32>
    %add3A_427 = arith.constant 896 : i32
    %add3A_428 = vector.broadcast %add3A_427 : i32 to vector<128x1024xi32>
    %add3A_429 = arith.addi %iota3A_426, %add3A_428 : vector<128x1024xi32>
    %gt3A_430 = arith.constant 5.000000e-01 : f32
    %gt3A_431 = vector.broadcast %gt3A_430 : f32 to vector<128x1024xf32>
    %gt3A_432 = arith.cmpf ogt, %div3A_425, %gt3A_431 : vector<128x1024xf32>
    %gt3A_433 = arith.cmpi sgt, %iota3A, %add3A_429 : vector<128x1024xi32>
    %and3A_434 = arith.andi %gt3A_432, %gt3A_433 : vector<128x1024xi1>
    %convert_element_type3A_435 = arith.extui %and3A_434 : vector<128x1024xi1> to vector<128x1024xi32>
    %convert_element_type3A_436 = arith.sitofp %convert_element_type3A_435 : vector<128x1024xi32> to vector<128x1024xf32>
    %swap3A_437 = arith.constant 896 : index
    %swap3A_438 = arith.constant 0 : index
    %swap3A_439 = vector.load %arg6[%swap3A_437, %swap3A_438] : memref<1024x1024xf32, #tpu.memory_space<vmem>>, vector<128x1024xf32>
    tpu.vector_store %arg6[%swap3A_437, %swap3A_438], %convert_element_type3A_436 {strides = array<i32>} : memref<1024x1024xf32, #tpu.memory_space<vmem>>, vector<128x1024xf32>,
    %iota3A_440 = tpu.iota {dimensions = array<i32: 1>} : vector<1x1024xi32>
    %broadcast_in_dim3A = arith.constant 1.000000e+00 : f32
    %broadcast_in_dim3A_441 = vector.broadcast %broadcast_in_dim3A : f32 to vector<1x1024xf32>
    %scan3A = arith.constant 0 : i32
    %scan3A_442 = arith.constant 1024 : i32
    %scan3A_443 = arith.addi %scan3A, %scan3A_442 : i32
    %scan3A_444 = arith.constant 1 : i32
    %scan3A_445 = scf.for %scan3A_466 = %scan3A to %scan3A_443 step %scan3A_444 iter_args(%scan3A_467 = %broadcast_in_dim3A_441) -> (vector<1x1024xf32>)  : i32 {
      %get3A_468 = arith.index_cast %scan3A_466 : i32 to index
      %get3A_469 = arith.constant 0 : index
      %get3A_470 = vector.load %arg6[%get3A_468, %get3A_469] : memref<1024x1024xf32, #tpu.memory_space<vmem>>, vector<1x1024xf32>
      %eq3A = vector.broadcast %scan3A_466 : i32 to vector<1x1024xi32>
      %eq3A_471 = arith.cmpi eq, %iota3A_440, %eq3A : vector<1x1024xi32>
      %jit3A_472 = arith.constant 0.000000e+00 : f32
      %broadcast_in_dim3A_473 = vector.broadcast %jit3A_472 : f32 to vector<1x1024xf32>
      %select_n3A_474 = arith.select %eq3A_471, %scan3A_467, %broadcast_in_dim3A_473 : vector<1x1024xi1>, vector<1x1024xf32>
      %reduce_sum3A = arith.constant dense<0.000000e+00> : vector<1xf32>
      %reduce_sum3A_475 = vector.multi_reduction <add>, %select_n3A_474, %reduce_sum3A [1] : vector<1x1024xf32> to vector<1xf32>
      %broadcast_in_dim3A_476 = vector.shape_cast %reduce_sum3A_475 : vector<1xf32> to vector<1x1xf32>
      %mul3A_477 = vector.broadcast %broadcast_in_dim3A_476 : vector<1x1xf32> to vector<1x1024xf32>
      %mul3A_478 = arith.mulf %get3A_470, %mul3A_477 : vector<1x1024xf32>
      %sub3A_479 = arith.constant 1.000000e+00 : f32
      %sub3A_480 = vector.broadcast %sub3A_479 : f32 to vector<1x1024xf32>
      %sub3A_481 = arith.subf %sub3A_480, %mul3A_478 : vector<1x1024xf32>
      %mul3A_482 = arith.mulf %scan3A_467, %sub3A_481 : vector<1x1024xf32>
      scf.yield %mul3A_482 : vector<1x1024xf32>
    }
    %scan3A_446 = arith.constant 1024 : i32
    %gt3A_447 = arith.constant 5.000000e-01 : f32
    %gt3A_448 = vector.broadcast %gt3A_447 : f32 to vector<1x1024xf32>
    %gt3A_449 = arith.cmpf ogt, %scan3A_445, %gt3A_448 : vector<1x1024xf32>
    %jit3A = arith.constant -1.000000e+09 : f32
    %broadcast_in_dim3A_450 = vector.broadcast %jit3A : f32 to vector<1x1024xf32>
    %select_n3A = arith.select %gt3A_449, %get3A_18, %broadcast_in_dim3A_450 : vector<1x1024xi1>, vector<1x1024xf32>
    %iota3A_451 = tpu.iota {dimensions = array<i32: 0>} : vector<128x1xi32>
    %broadcast_in_dim3A_452 = arith.constant 0.000000e+00 : f32
    %broadcast_in_dim3A_453 = vector.broadcast %broadcast_in_dim3A_452 : f32 to vector<128x1xf32>
    %scan3A_454 = arith.constant 0 : i32
    %scan3A_455 = arith.constant 100 : i32
    %scan3A_456 = arith.addi %scan3A_454, %scan3A_455 : i32
    %scan3A_457 = arith.constant 1 : i32
    %scan3A_458:7 = scf.for %scan3A_466 = %scan3A_454 to %scan3A_456 step %scan3A_457 iter_args(%scan3A_467 = %select_n3A, %scan3A_468 = %broadcast_in_dim3A_453, %scan3A_469 = %broadcast_in_dim3A_453, %scan3A_470 = %broadcast_in_dim3A_453, %scan3A_471 = %broadcast_in_dim3A_453, %scan3A_472 = %broadcast_in_dim3A_453, %scan3A_473 = %broadcast_in_dim3A_453) -> (vector<1x1024xf32>, vector<128x1xf32>, vector<128x1xf32>, vector<128x1xf32>, vector<128x1xf32>, vector<128x1xf32>, vector<128x1xf32>)  : i32 {
      %reduce_max3A = arith.constant dense<0xFF800000> : vector<1xf32>
      %reduce_max3A_474 = vector.multi_reduction <maximumf>, %scan3A_467, %reduce_max3A [1] : vector<1x1024xf32> to vector<1xf32>
      %broadcast_in_dim3A_475 = vector.shape_cast %reduce_max3A_474 : vector<1xf32> to vector<1x1xf32>
      %eq3A = vector.broadcast %broadcast_in_dim3A_475 : vector<1x1xf32> to vector<1x1024xf32>
      %eq3A_476 = arith.cmpf oeq, %scan3A_467, %eq3A : vector<1x1024xf32>
      %jit3A_477 = arith.constant 1024 : i32
      %broadcast_in_dim3A_478 = vector.broadcast %jit3A_477 : i32 to vector<1x1024xi32>
      %select_n3A_479 = arith.select %eq3A_476, %iota3A_440, %broadcast_in_dim3A_478 : vector<1x1024xi1>, vector<1x1024xi32>
      %reduce_min3A = arith.constant dense<2147483647> : vector<1xi32>
      %reduce_min3A_480 = vector.multi_reduction <minsi>, %select_n3A_479, %reduce_min3A [1] : vector<1x1024xi32> to vector<1xi32>
      %broadcast_in_dim3A_481 = vector.shape_cast %reduce_min3A_480 : vector<1xi32> to vector<1x1xi32>
      %eq3A_482 = vector.broadcast %broadcast_in_dim3A_481 : vector<1x1xi32> to vector<1x1024xi32>
      %eq3A_483 = arith.cmpi eq, %iota3A_440, %eq3A_482 : vector<1x1024xi32>
      %convert_element_type3A_484 = arith.extui %eq3A_483 : vector<1x1024xi1> to vector<1x1024xi32>
      %convert_element_type3A_485 = arith.sitofp %convert_element_type3A_484 : vector<1x1024xi32> to vector<1x1024xf32>
      %eq3A_486 = vector.broadcast %scan3A_466 : i32 to vector<128x1xi32>
      %eq3A_487 = arith.cmpi eq, %iota3A_451, %eq3A_486 : vector<128x1xi32>
      %convert_element_type3A_488 = arith.extui %eq3A_487 : vector<128x1xi1> to vector<128x1xi32>
      %convert_element_type3A_489 = arith.sitofp %convert_element_type3A_488 : vector<128x1xi32> to vector<128x1xf32>
      %slice3A_490 = vector.extract_strided_slice %get3A_13 {offsets = [0, 0], sizes = [1, 1024], strides = [1, 1]} : vector<5x1024xf32> to vector<1x1024xf32>
      %mul3A_491 = arith.mulf %convert_element_type3A_485, %slice3A_490 : vector<1x1024xf32>
      %reduce_sum3A = arith.constant dense<0.000000e+00> : vector<1xf32>
      %reduce_sum3A_492 = vector.multi_reduction <add>, %mul3A_491, %reduce_sum3A [1] : vector<1x1024xf32> to vector<1xf32>
      %broadcast_in_dim3A_493 = vector.shape_cast %reduce_sum3A_492 : vector<1xf32> to vector<1x1xf32>
      %mul3A_494 = vector.broadcast %broadcast_in_dim3A_493 : vector<1x1xf32> to vector<128x1xf32>
      %mul3A_495 = arith.mulf %convert_element_type3A_489, %mul3A_494 : vector<128x1xf32>
      %add3A_496 = arith.addf %scan3A_468, %mul3A_495 : vector<128x1xf32>
      %slice3A_497 = vector.extract_strided_slice %get3A_13 {offsets = [1, 0], sizes = [1, 1024], strides = [1, 1]} : vector<5x1024xf32> to vector<1x1024xf32>
      %mul3A_498 = arith.mulf %convert_element_type3A_485, %slice3A_497 : vector<1x1024xf32>
      %reduce_sum3A_499 = arith.constant dense<0.000000e+00> : vector<1xf32>
      %reduce_sum3A_500 = vector.multi_reduction <add>, %mul3A_498, %reduce_sum3A_499 [1] : vector<1x1024xf32> to vector<1xf32>
      %broadcast_in_dim3A_501 = vector.shape_cast %reduce_sum3A_500 : vector<1xf32> to vector<1x1xf32>
      %mul3A_502 = vector.broadcast %broadcast_in_dim3A_501 : vector<1x1xf32> to vector<128x1xf32>
      %mul3A_503 = arith.mulf %convert_element_type3A_489, %mul3A_502 : vector<128x1xf32>
      %add3A_504 = arith.addf %scan3A_469, %mul3A_503 : vector<128x1xf32>
      %slice3A_505 = vector.extract_strided_slice %get3A_13 {offsets = [2, 0], sizes = [1, 1024], strides = [1, 1]} : vector<5x1024xf32> to vector<1x1024xf32>
      %mul3A_506 = arith.mulf %convert_element_type3A_485, %slice3A_505 : vector<1x1024xf32>
      %reduce_sum3A_507 = arith.constant dense<0.000000e+00> : vector<1xf32>
      %reduce_sum3A_508 = vector.multi_reduction <add>, %mul3A_506, %reduce_sum3A_507 [1] : vector<1x1024xf32> to vector<1xf32>
      %broadcast_in_dim3A_509 = vector.shape_cast %reduce_sum3A_508 : vector<1xf32> to vector<1x1xf32>
      %mul3A_510 = vector.broadcast %broadcast_in_dim3A_509 : vector<1x1xf32> to vector<128x1xf32>
      %mul3A_511 = arith.mulf %convert_element_type3A_489, %mul3A_510 : vector<128x1xf32>
      %add3A_512 = arith.addf %scan3A_470, %mul3A_511 : vector<128x1xf32>
      %slice3A_513 = vector.extract_strided_slice %get3A_13 {offsets = [3, 0], sizes = [1, 1024], strides = [1, 1]} : vector<5x1024xf32> to vector<1x1024xf32>
      %mul3A_514 = arith.mulf %convert_element_type3A_485, %slice3A_513 : vector<1x1024xf32>
      %reduce_sum3A_515 = arith.constant dense<0.000000e+00> : vector<1xf32>
      %reduce_sum3A_516 = vector.multi_reduction <add>, %mul3A_514, %reduce_sum3A_515 [1] : vector<1x1024xf32> to vector<1xf32>
      %broadcast_in_dim3A_517 = vector.shape_cast %reduce_sum3A_516 : vector<1xf32> to vector<1x1xf32>
      %mul3A_518 = vector.broadcast %broadcast_in_dim3A_517 : vector<1x1xf32> to vector<128x1xf32>
      %mul3A_519 = arith.mulf %convert_element_type3A_489, %mul3A_518 : vector<128x1xf32>
      %add3A_520 = arith.addf %scan3A_471, %mul3A_519 : vector<128x1xf32>
      %mul3A_521 = vector.broadcast %broadcast_in_dim3A_475 : vector<1x1xf32> to vector<128x1xf32>
      %mul3A_522 = arith.mulf %convert_element_type3A_489, %mul3A_521 : vector<128x1xf32>
      %add3A_523 = arith.addf %scan3A_472, %mul3A_522 : vector<128x1xf32>
      %mul3A_524 = arith.mulf %convert_element_type3A_485, %slice3A_32 : vector<1x1024xf32>
      %reduce_sum3A_525 = arith.constant dense<0.000000e+00> : vector<1xf32>
      %reduce_sum3A_526 = vector.multi_reduction <add>, %mul3A_524, %reduce_sum3A_525 [1] : vector<1x1024xf32> to vector<1xf32>
      %broadcast_in_dim3A_527 = vector.shape_cast %reduce_sum3A_526 : vector<1xf32> to vector<1x1xf32>
      %mul3A_528 = vector.broadcast %broadcast_in_dim3A_527 : vector<1x1xf32> to vector<128x1xf32>
      %mul3A_529 = arith.mulf %convert_element_type3A_489, %mul3A_528 : vector<128x1xf32>
      %add3A_530 = arith.addf %scan3A_473, %mul3A_529 : vector<128x1xf32>
      %eq3A_531 = vector.broadcast %broadcast_in_dim3A_481 : vector<1x1xi32> to vector<1x1024xi32>
      %eq3A_532 = arith.cmpi eq, %iota3A_440, %eq3A_531 : vector<1x1024xi32>
      %jit3A_533 = arith.constant -3.000000e+38 : f32
      %broadcast_in_dim3A_534 = vector.broadcast %jit3A_533 : f32 to vector<1x1024xf32>
      %select_n3A_535 = arith.select %eq3A_532, %broadcast_in_dim3A_534, %scan3A_467 : vector<1x1024xi1>, vector<1x1024xf32>
      scf.yield %select_n3A_535, %add3A_496, %add3A_504, %add3A_512, %add3A_520, %add3A_523, %add3A_530 : vector<1x1024xf32>, vector<128x1xf32>, vector<128x1xf32>, vector<128x1xf32>, vector<128x1xf32>, vector<128x1xf32>, vector<128x1xf32>
    }
    %scan3A_459 = arith.constant 100 : i32
    %concatenate3A = tpu.concatenate %scan3A_458#1, %scan3A_458#2, %scan3A_458#3, %scan3A_458#4, %scan3A_458#5, %scan3A_458#6, %broadcast_in_dim3A_453, %broadcast_in_dim3A_453 in 1 : vector<128x1xf32>, vector<128x1xf32>, vector<128x1xf32>, vector<128x1xf32>, vector<128x1xf32>, vector<128x1xf32>, vector<128x1xf32>, vector<128x1xf32> -> vector<128x8xf32>
    %swap3A_460 = arith.constant 0 : index
    %swap3A_461 = arith.constant 0 : index
    %swap3A_462 = arith.constant 0 : index
    %swap3A_463 = vector.load %arg5[%swap3A_460, %swap3A_461, %swap3A_462] : memref<1x128x8xf32, #tpu.memory_space<vmem>>, vector<1x128x8xf32>
    %swap3A_464 = vector.shape_cast %swap3A_463 : vector<1x128x8xf32> to vector<128x8xf32>
    %swap3A_465 = vector.shape_cast %concatenate3A : vector<128x8xf32> to vector<1x128x8xf32>
    tpu.vector_store %arg5[%swap3A_460, %swap3A_461, %swap3A_462], %swap3A_465 {strides = array<i32>} : memref<1x128x8xf32, #tpu.memory_space<vmem>>, vector<1x128x8xf32>,
    return
  }
  func.func @transform_0(%arg0: i32) -> (i32, i32, i32) {
    %c0_i32 = arith.constant 0 : i32
    %c0_i32_0 = arith.constant 0 : i32
    %c0_i32_1 = arith.constant 0 : i32
    return %arg0, %c0_i32, %c0_i32_0 : i32, i32, i32
  }
  func.func @transform_1(%arg0: i32) -> (i32, i32, i32) {
    %c0_i32 = arith.constant 0 : i32
    %c0_i32_0 = arith.constant 0 : i32
    %c0_i32_1 = arith.constant 0 : i32
    return %arg0, %c0_i32, %c0_i32_0 : i32, i32, i32
  }
  func.func @transform_2(%arg0: i32) -> (i32, i32, i32) {
    %c0_i32 = arith.constant 0 : i32
    %c0_i32_0 = arith.constant 0 : i32
    %c0_i32_1 = arith.constant 0 : i32
    return %arg0, %c0_i32, %c0_i32_0 : i32, i32, i32
  }
  func.func @transform_3(%arg0: i32) -> (i32, i32, i32) {
    %c0_i32 = arith.constant 0 : i32
    %c0_i32_0 = arith.constant 0 : i32
    %c0_i32_1 = arith.constant 0 : i32
    return %arg0, %c0_i32, %c0_i32_0 : i32, i32, i32
  }
  func.func @transform_4(%arg0: i32) -> (i32, i32, i32) {
    %c0_i32 = arith.constant 0 : i32
    %c0_i32_0 = arith.constant 0 : i32
    %c0_i32_1 = arith.constant 0 : i32
    return %arg0, %c0_i32, %c0_i32_0 : i32, i32, i32
  }
}

</mosaic_0001>

<sc_bundles>
// kernel: gather_offload_async_start
scs
__scs_entry_jumppad:
0x0: {  	(pc) =	sbr.rel $0x88, $3  }
0x1: {  	(tag) =	ssettag $0x0;
	lr =	simm.s32 $0x1  }
0x2: {  	[smem:$0x3F9F] =	sst lr;
	_ =	strace $0xD0000000  }
0x3: {  	_ = 	snop  }
0x4: {  	_ = 	snop  }
0x5: {  	_ = 	snop  }
0x6: {  	_ = 	snop  }
0x7: {  	_ = 	snop  }
__scs_overlays_trampoline_lowered:
0x8: {  	[smem:$0x3FAE] =	sst s0  }
0x9: {  	[smem:$0x3FAF] =	sst s1  }
0xa: {  	[smem:$0x3FB0] =	sst s2  }
0xb: {  	[smem:$0x3FB1] =	sst s3  }
0xc: {  	[smem:$0x3FB2] =	sst s4  }
0xd: {  	[smem:$0x3FB3] =	sst s5  }
0xe: {  	[smem:$0x3FB4] =	sst s6  }
0xf: {  	[smem:$0x3FB5] =	sst s7  }
0x10: {  	[smem:$0x3FB6] =	sst s8  }
0x11: {  	[smem:$0x3FB7] =	sst s9;
	s0 =	simm.s32 @!p0 $0x0  }
0x12: {  	s1 =	sld [smem:$0x3F9D];
	s0 =	simm.s32 @p0 $0x1  }
0x13: {  	[smem:$0x3FB8] =	sst s0;
	s0 =	simm.s32 @!p1 $0x0  }
0x14: {  	s2 =	sld [smem:$0x3F9C];
	s0 =	simm.s32 @p1 $0x1  }
0x15: {  	[smem:$0x3FB9] =	sst s0;
	s0 =	simm.s32 @!p2 $0x0  }
0x16: {  	s3 =	sld [smem:$0x3FDB];
	s0 =	simm.s32 @p2 $0x1  }
0x17: {  	s4 =	simm.s32 $0x1BF5;
	[smem:$0x3FBB] =	sst s0  }
0x18: {  	s0 =	sld [smem:$0x3F9E];
	_ =	swait.ge [sflag:s4], $0x0  }
0x19: {  	s7 =	sld [smem:$0x3F9F]  }
0x1a: {  	s8 =	sadd.s32 $0xFFFFE003, lr  }
0x1b: {  	s9 =	sadd.s32 $0xFFFFFEF7, lr;
	s5 =	simm.s32 $0xFFFFFFFF;
	p2 =	slt.u32 s8, $0xFFFFF086  }
0x1c: {  	p1 =	slt.u32 s9, $0xF7A;
	s5 =	simm.s32 @!p2 $0x0  }
0x1d: {  	s5 =	simm.s32 @p1 $0x1;
	p0 =	seq.s32 s7, s2  }
0x1e: {  	s7 =	smul.u32 @!p0 $0xF7A, s2;
	p2 =	seq.s32 @!p0 s5, $0x0  }
0x1f: {  	s9 =	smul.u32 $0xF7A, s1;
	s8 =	simm.s32 @!p0 $0x1BF5;
	p2 =	por !p2, p0  }
0x20: {  	[sflag:s8] =	ssyncset.s32 @!p0 $0xFFFFF086;
	s6 =	sadd.s32 @!p0 s3, s7;
	s7 =	simm.s32 @!p0 $0x108  }
0x21: {  	s3 =	sadd.s32 s3, s9;
	s6 =	sadd.s32 @!p0 $0x88, s6;
	s7 =	simm.s32 @p2 $0x1082  }
0x22: {  	[simem:s7], [sflag:s8] =	dma.local @!p0 [hbm:s6], $0xF7A  }
0x23: {  	s9 =	sor.u32 $0xD0000000, s2;
	s6 =	simm.s32 $0x108;
	_ =	swait.ge @!p0 [sflag:s8], $0x0  }
0x24: {  	s3 =	sadd.s32 $0x88, s3;
	s6 =	simm.s32 @!p1 $0x1082;
	[sflag:s4] =	ssyncset.s32 $0xFFFFF086  }
0x25: {  	[simem:s6], [sflag:s4] =	dma.local [hbm:s3], $0xF7A  }
0x26: {  	[smem:$0x3F9F] =	sst s1;
	(tag) =	ssettag s2;
	_ =	strace s9  }
0x27: {  	s1 =	sld [smem:$0x3FAF]  }
0x28: {  	s2 =	sld [smem:$0x3FB0]  }
0x29: {  	s4 =	sld [smem:$0x3FB2]  }
0x2a: {  	p0 =	seq.s32 s5, $0x0;
	s5 =	sld [smem:$0x3FB3]  }
0x2b: {  	s6 =	sld [smem:$0x3FB4]  }
0x2c: {  	s7 =	sld [smem:$0x3FB5]  }
0x2d: {  	s3 =	simm.s32 $0x108;
	s8 =	sld [smem:$0x3FB6]  }
0x2e: {  	s3 =	simm.s32 @!p0 $0x1082;
	s9 =	sld [smem:$0x3FB7]  }
0x2f: {  	lr =	sadd.s32 s0, s3;
	s0 =	sld [smem:$0x3FAE]  }
0x30: {  	s3 =	sld [smem:$0x3FB1]  }
0x31: {  	[smem:$0x3FBA] =	sst s10  }
0x32: {  	s10 =	sld [smem:$0x3FB8];
	_ =	sdelay $0x3  }
0x33: {  	p0 =	seq.s32 s10, $0x1;
	s10 =	sld [smem:$0x3FBA];
	_ =	sdelay $0x3  }
0x34: {  	[smem:$0x3FBA] =	sst s10  }
0x35: {  	s10 =	sld [smem:$0x3FB9];
	_ =	sdelay $0x3  }
0x36: {  	p1 =	seq.s32 s10, $0x1;
	s10 =	sld [smem:$0x3FBA];
	_ =	sdelay $0x3  }
0x37: {  	[smem:$0x3FBA] =	sst s10  }
0x38: {  	s10 =	sld [smem:$0x3FBB]  }
0x39: {  	_ = 	snop;
	(pc) =	sbr.ind lr, $3  }
0x3a: {  	_ = 	snop  }
0x3b: {  	_ = 	snop  }
0x3c: {  	p2 =	seq.s32 s10, $0x1;
	s10 =	sld [smem:$0x3FBA]  }
0x3d: {  	_ =	shalt  }
0x3e: {  	_ =	shalt  }
0x3f: {  	_ =	shalt  }
0x40: {  	_ =	shalt  }
0x41: {  	_ =	shalt  }
0x42: {  	_ =	shalt  }
0x43: {  	_ =	shalt  }
0x44: {  	_ =	shalt  }
0x45: {  	_ =	shalt  }
0x46: {  	_ =	shalt  }
0x47: {  	_ =	shalt  }
0x48: {  	_ =	shalt  }
0x49: {  	_ =	shalt  }
0x4a: {  	_ =	shalt  }
0x4b: {  	_ =	shalt  }
0x4c: {  	_ =	shalt  }
0x4d: {  	_ =	shalt  }
0x4e: {  	_ =	shalt  }
0x4f: {  	_ =	shalt  }
0x50: {  	_ =	shalt  }
0x51: {  	_ =	shalt  }
0x52: {  	_ =	shalt  }
0x53: {  	_ =	shalt  }
0x54: {  	_ =	shalt  }
0x55: {  	_ =	shalt  }
0x56: {  	_ =	shalt  }
0x57: {  	_ =	shalt  }
0x58: {  	_ =	shalt  }
0x59: {  	_ =	shalt  }
0x5a: {  	_ =	shalt  }
0x5b: {  	_ =	shalt  }
0x5c: {  	_ =	shalt  }
0x5d: {  	_ =	shalt  }
0x5e: {  	_ =	shalt  }
0x5f: {  	_ =	shalt  }
0x60: {  	_ =	shalt  }
0x61: {  	_ =	shalt  }
0x62: {  	_ =	shalt  }
0x63: {  	_ =	shalt  }
0x64: {  	_ =	shalt  }
0x65: {  	_ =	shalt  }
0x66: {  	_ =	shalt  }
0x67: {  	_ =	shalt  }
0x68: {  	_ =	shalt  }
0x69: {  	_ =	shalt  }
0x6a: {  	_ =	shalt  }
0x6b: {  	_ =	shalt  }
0x6c: {  	_ =	shalt  }
0x6d: {  	_ =	shalt  }
0x6e: {  	_ =	shalt  }
0x6f: {  	_ =	shalt  }
0x70: {  	_ =	shalt  }
0x71: {  	_ =	shalt  }
0x72: {  	_ =	shalt  }
0x73: {  	_ =	shalt  }
0x74: {  	_ =	shalt  }
0x75: {  	_ =	shalt  }
0x76: {  	_ =	shalt  }
0x77: {  	_ =	shalt  }
0x78: {  	_ =	shalt  }
0x79: {  	_ =	shalt  }
0x7a: {  	_ =	shalt  }
0x7b: {  	_ =	shalt  }
0x7c: {  	_ =	shalt  }
0x7d: {  	_ =	shalt  }
0x7e: {  	_ =	shalt  }
0x7f: {  	_ =	shalt  }
0x80: {  	_ =	shalt  }
0x81: {  	_ =	shalt  }
0x82: {  	_ =	shalt  }
0x83: {  	_ =	shalt  }
0x84: {  	_ =	shalt  }
0x85: {  	_ =	shalt  }
0x86: {  	_ =	shalt  }
0x87: {  	_ =	shalt  }
.Lfunc_end0:
.L_simem_size_0:
called_computation.1_lowered:
.L_overlay_start_0:
0x88: {  	s0 =	sld [smem:$0x3FD9]  }
0x89: {  	s1 =	sld [smem:$0x3FFE];
	_ =	sdelay $0x3  }
0x8a: {  	s0 =	sadd.s32 s1, s0  }
0x8b: {  	[smem:$0x3FC6] =	sst s0  }
0x8c: {  	_ = 	snop  }
0x8d: {  	(tm) =	ssettm $0x1  }
0x8e: {  	s15 =	sld [smem:$0x3FFB];
	_ =	sdelay $0x3  }
0x8f: {  	_ =	strace s15  }
0x90: {  	s0 =	sld [smem:$0x3FFC];
	_ =	sdelay $0x3  }
0x91: {  	_ =	strace s0  }
0x92: {  	s0 =	sld [smem:$0x3FFD];
	_ =	sdelay $0x3  }
0x93: {  	_ =	strace s0  }
0x94: {  	_ =	strace $0x8FFFFFFF  }
0x95: {  	s16 =	sld [smem:$0x3FDB];
	_ =	sdelay $0x1  }
0x96: {  	s17 =	simm.s32 $_scs_section_size  }
0x97: {  	s2 =	simm.s32 $_size__tile_overlayer_lowered;
	s3 =	simm.s32 $_tile_overlayer_lowered  }
0x98: {  	s20 =	simm.s32 $0x1BFF;
	s19 =	sshll.u32 s3, $0x1;
	s0 =	sadd.s32 s17, s16  }
0x99: {  	s4 =	simm.s32 $0x0;
	s18 =	sshll.u32 s2, $0x1;
	s2 =	sadd.s32 s19, s0  }
0x9a: {  	[timem:s4], [sflag:s20] =	dma.local [hbm:s2], s18  }
0x9b: {  	_ =	swait.ge [sflag:s20], s18  }
0x9c: {  	s1 =	ssub.s32 $0x0, s18;
	[sflag:s20] =	ssyncset.done $0x0  }
0x9d: {  	[sflag:s20] =	ssyncadd.s32 s1;
	_ =	sdelay $0x1  }
0x9e: {  	s21 =	simm.s32 $0x1B8B  }
0x9f: {  	_ =	swait.ge [sflag:s21], $0x1  }
0xa0: {  	[sflag:s21] =	ssyncset.done $0x0  }
0xa1: {  	s23 =	simm.s32 $0x1B8E;
	s22 =	sld [smem:$0x3FFE];
	[sflag:s21] =	ssyncadd.s32 $0xFFFFFFFF  }
0xa2: {  	s24 =	simm.s32 $execute0_lowered;
	[smem:$0x3FD2] =	sst s23  }
0xa3: {  	s2 =	sshll.u32 s24, $0x1;
	_ =	strace $0x80000049;
	[dreg:$0x1] =	wrdreg $0xFFFFFFFF  }
0xa4: {  	s25 =	simm.s32 $_size_execute0_lowered;
	s0 =	sadd.s32 s0, s2;
	[dreg:$0x0] =	wrdreg $0x0  }
0xa5: {  	s2 =	sshll.u32 s25, $0x1;
	[dreg:$0x2] =	wrdreg s0  }
0xa6: {  	[dreg:$0x3] =	wrdreg s2  }
0xa7: {  	[dreg:$0x4] =	wrdreg $0xC0  }
0xa8: {  	_ =	task [dreg:s4], $0x5FFFF  }
0xa9: {  	[dreg:$0x1] =	wrdreg $0xFFFFFFFF  }
0xaa: {  	[dreg:$0x0] =	wrdreg $0x60  }
0xab: {  	[dreg:$0x2] =	wrdreg s22  }
0xac: {  	[dreg:$0x3] =	wrdreg $0x9  }
0xad: {  	_ =	task.clear_ibuf [dreg:s4], $0x4FFFF;
	_ =	strace $0x90000049  }
0xae: {  	s26 =	simm.s32 $0x9;
	_ =	strace $0x8000004B  }
0xaf: {  	_ =	swait.ge [sflag:s26], $0x1  }
0xb0: {  	[sflag:s26] =	ssyncadd.s32 $0xFFFFFFFF  }
0xb1: {  	_ =	strace $0x9000004B  }
0xb2: {  	_ =	sfence  }
0xb3: {  	s28 =	sld [smem:$0x0];
	_ =	sdelay $0x1  }
0xb4: {  	s29 =	srdreg.scid  }
0xb5: {  	s30 =	sshll.u32 s29, $0xD;
	s31 =	sshrl.u32 s29, $0x2  }
0xb6: {  	s1 =	sand.u32 $0x1, s29;
	s2 =	sand.u32 $0x4000, s30;
	s0 =	sadd.s32 s31, s28  }
0xb7: {  	s1 =	sor.u32 s2, s1;
	s0 =	sshll.u32 s0, $0x11  }
0xb8: {  	s0 =	sor.u32 s0, s1  }
0xb9: {  	s0 =	sadd.s32 $0x8F2B, s0  }
0xba: {  	[sflag:s0] =	ssyncadd.remote.s32 $0x1  }
0xbb: {  	_ =	sfence.sel $0xFFFF  }
0xbc: {  	[dreg:$0x0] =	wrdreg $0xFFFFFFFF;
	(pc) =	sbr.abs _section_cstart, $3  }
0xbd: {  	[dreg:$0x1] =	wrdreg $0xFFFFFFFF  }
0xbe: {  	_ =	task.clear_ibuf [dreg:s4], $0x2FFFF;
	_ =	strace $0x9FFFFFFF  }
0xbf: {  	(tm) =	ssettm $0x7FFFFFFF  }
tec
execute0_lowered:
.L_overlay_start_1:
0x0: {  	(tag) =	ssettag $0x1  }
0x1: {  	s0 =	stileid.u32  }
0x2: {  	s1 =	smin.u32 s0, $0x9  }
0x3: {  	s1 =	sadd.s32 s0, s1  }
0x4: {  	p0 =	slt.u32 s0, $0x9;
	s2 =	smul.u32 $0x50, s1;
	s1 =	simm.s32 $0xA0  }
0x5: {  	s1 =	simm.s32 @!p0 $0x50  }
0x6: {  	s1 =	sadd.s32 s1, s2  }
0x7: {  	s3 =	smin.u32 s1, $0x7D0  }
0x8: {  	s7 =	ssub.s32 s3, s2  }
0x9: {  	p0 =	sgt.s32 s7, $0x0  }
0xa: {  	s7 =	simm.s32 @!p0 $0x0  }
0xb: {  	s31 =	smul.u32 $0xCCCD, s7  }
0xc: {  	s4 =	rddreg [dreg:$0x0];
	s6 =	simm.s32 $0x1  }
0xd: {  	s10 =	simm.s32 $0x3;
	s13 =	simm.s32 $0x0;
	s8 =	sshrl.u32 s31, $0x16  }
0xe: {  	s12 =	simm.s32 $0x0;
	s5 =	sadd.s32 $0x573C00, s4;
	s9 =	smul.u32 $0x50, s8  }
.Ltmp0:
0xf: {  	s11 =	smov.u32 s2;
	s1 =	rddreg [dreg:$0x1];
	(pc) =	sbr.rel .LBB2_1-.Ltmp0, $4  }
0x10: {  	_ =	strace $0x8000004A;
	p0 =	sne.s32 s7, s9;
	s9 =	simm.s32 $0x1  }
0x11: {  	[sflag:s6] =	ssyncpa.u1 $0x0;
	s7 =	simm.s32 $0x2;
	s9 =	simm.s32 @!p0 $0x0  }
0x12: {  	[sflag:s7] =	ssyncpa.u1 $0x0;
	p0 =	por $0x0, $0x0;
	s8 =	sadd.s32 s8, s9  }
0x13: {  	v0 =	vimm.s32 $0x0;
	vm0 =	vmmov $0xff;
	vm1 =	vcmask $0x3F20;
	s9 =	sadd.s32 $0x200, s4;
	[sflag:s10] =	ssyncpa.u1 $0x0;
	s10 =	sadd.s32 $0x1, s8  }
.LBB2_6:
0x14: {  	[hbm:s17] =	stream.linear.scatter [tilespmem:s14], [sflag:$0x3], $0x400, $0x38;
	[tilespmem:$0x50A0] =	vst v63  }
.LBB2_7:
0x15: {  	s13 =	sadd.s32 $0x50, s11  }
0x16: {  	s15 =	smov.u32 s2;
	p2 =	slt.s32 s13, s3  }
0x17: {  	s15 =	smov.u32 @p2 s13;
	p2 =	sne.s32 s12, s10  }
.Ltmp1:
0x18: {  	p1 =	slt.u32 s12, $0x2;
	(pc) =	sbr.rel @!p2 .LBB2_8-.Ltmp1, $4  }
0x19: {  	s14 =	simm.s32 @!p1 $0x3  }
0x1a: {  	s16 =	sadd.s32 $0x1, s12;
	_ =	swait.ge @!p1 [sflag:s14], $0x2800  }
0x1b: {  	p0 =	por !p0, !p0;
	s13 =	smov.u32 s11;
	[sflag:s14] =	ssyncset.done @!p1 $0x0  }
0x1c: {  	s12 =	smov.u32 s16;
	s11 =	smov.u32 s15;
	[sflag:s14] =	ssyncadd.s32 @!p1 $0xFFFFD800  }
.LBB2_1:
0x1d: {  	p1 =	sge.u32 s12, s8  }
0x1e: {  	s14 =	sxor.u32 @!p1 $0xFFFFFFFF, s12  }
0x1f: {  	s14 =	sand.u32 @!p1 $0x1, s14  }
0x20: {  	s14 =	smul.u32 @!p1 $0x140, s14  }
0x21: {  	s31 =	sadd.s32 $0xFFFFFFFF, s12;
	s15 =	sshrl.u32 @!p1 s11, $0x3  }
0x22: {  	s16 =	sand.u32 @!p1 $0x7, s11;
	s15 =	sadd.s32 @!p1 s4, s15;
	s14 =	sshrl.u32 @!p1 s14, $0x2  }
0x23: {  	[tilespmem:s14], [sflag:$0x2] =	stream.linear.gather @!p1 [hbm4b:s15+s16], $0x50, $0x38;
	[tilespmem:$0x50A0] =	vst v63  }
0x24: {  	p1 =	sge.u32 s31, s8  }
.Ltmp2:
0x25: {  	_ = 	snop;
	(pc) =	sbr.rel @p1 .LBB2_7-.Ltmp2, $1  }
0x26: {  	_ =	sdelay $0x3  }
0x27: {  	s14 =	simm.s32 $0x1  }
0x28: {  	s14 =	simm.s32 @!p0 $0x0  }
0x29: {  	s15 =	smul.u32 $0x140, s14  }
0x2a: {  	_ =	swait.ge [sflag:s7], $0x50  }
0x2b: {  	[sflag:s7] =	ssyncset.done $0x0;
	s16 =	sshrl.u32 s15, $0x2  }
0x2c: {  	[sflag:s7] =	ssyncadd.s32 $0xFFFFFFB0;
	s15 =	sadd.s32 $0x0, s16  }
0x2d: {  	v1 =	vld.msk [tilespmem:s15+$0x0 ss:$0x1], $0xffff;
	_ =	sdelay $0x4  }
0x2e: {  	v2 =	vand.u32 $0x1, v1;
	v3 =	vshll.u32 v1, $0x6  }
0x2f: {  	vm2 =	veq.s32 v1, $0x80000000;
	vm3 =	veq.s32 v2, $0x1;
	v1 =	vand.u32 $0xFFFF80, v3  }
0x30: {  	v2 =	vsel vm3, $0xAFC800, v0;
	v1 =	vsel vm2, $0xFFFFFF80, v1  }
0x31: {  	v2 =	vsel vm2, $0xFF503800, v2;
	v3 =	vand.u32 $0xFFFFFC00, v1  }
0x32: {  	v1 =	vand.u32 $0x380, v1;
	v2 =	vadd.s32 v2, v3  }
0x33: {  	v1 =	vor.u32 v1, v2  }
0x34: {  	v1 =	vshrl.u32 v1, $0x3  }
0x35: {  	s14 =	smul.u32 $0xA000, s14;
	_ =	sdelay $0x1  }
0x36: {  	s14 =	sshrl.u32 s14, $0x2  }
0x37: {  	s14 =	sor.u32 $0xA0, s14  }
0x38: {  	[tilespmem:s14], [sflag:$0x1] =	stream.indirect_vreg.gather [hbm:s5], $0x80, v1, vm0, $0x38;
	[tilespmem:$0x50A0] =	vst v63  }
0x39: {  	s17 =	sadd.s32 $0x10, s16;
	s15 =	sadd.s32 $0x400, s14  }
0x3a: {  	[tilespmem:s15], [sflag:$0x1] =	stream.indirect_vreg.gather [hbm:s5], $0x80, v1, vm1, $0x38;
	[tilespmem:$0x50A0] =	vst v63  }
0x3b: {  	s18 =	simm.s32 $0x80;
	v1 =	vld.msk [tilespmem:s17+$0x0 ss:$0x1], $0xffff;
	s17 =	smov.u32 s14  }
.LBB2_3:
0x3c: {  	p1 =	sne.s32 s18, $0x100;
	_ =	sdelay $0x4  }
0x3d: {  	v2 =	vand.u32 $0x1, v1;
	v3 =	vshll.u32 v1, $0x6  }
0x3e: {  	vm2 =	veq.s32 v1, $0x80000000;
	vm3 =	veq.s32 v2, $0x1;
	v1 =	vand.u32 $0xFFFF80, v3  }
0x3f: {  	v2 =	vsel vm3, $0xAFC800, v0;
	v1 =	vsel vm2, $0xFFFFFF80, v1  }
0x40: {  	v2 =	vsel vm2, $0xFF503800, v2;
	v3 =	vand.u32 $0xFFFFFC00, v1  }
0x41: {  	v1 =	vand.u32 $0x380, v1;
	v2 =	vadd.s32 v2, v3  }
0x42: {  	v1 =	vor.u32 v1, v2  }
0x43: {  	v1 =	vshrl.u32 v1, $0x3;
	_ =	sdelay $0x3  }
.Ltmp3:
0x44: {  	s19 =	sshra.s32 s18, $0x2;
	s17 =	sadd.s32 $0x800, s17;
	(pc) =	sbr.rel @p1 .LBB2_3-.Ltmp3, $4  }
0x45: {  	[tilespmem:s17], [sflag:$0x1] =	stream.indirect_vreg.gather [hbm:s5], $0x80, v1, vm0, $0x38;
	[tilespmem:$0x50A0] =	vst v63  }
0x46: {  	s19 =	sadd.s32 s19, s16;
	s20 =	sadd.s32 $0x400, s17  }
0x47: {  	[tilespmem:s20], [sflag:$0x1] =	stream.indirect_vreg.gather [hbm:s5], $0x80, v1, vm1, $0x38;
	[tilespmem:$0x50A0] =	vst v63  }
0x48: {  	s18 =	sadd.s32 $0x40, s18;
	v1 =	vld.msk [tilespmem:s19+$0x0 ss:$0x1], $0xffff  }
0x49: {  	_ =	sdelay $0x3  }
0x4a: {  	v2 =	vand.u32 $0x1, v1;
	v3 =	vshll.u32 v1, $0x6  }
0x4b: {  	vm2 =	veq.s32 v1, $0x80000000;
	vm3 =	veq.s32 v2, $0x1;
	v1 =	vand.u32 $0xFFFF80, v3  }
0x4c: {  	v2 =	vsel vm3, $0xAFC800, v0;
	v1 =	vsel vm2, $0xFFFFFF80, v1  }
0x4d: {  	v2 =	vsel vm2, $0xFF503800, v2;
	v3 =	vand.u32 $0xFFFFFC00, v1  }
0x4e: {  	v1 =	vand.u32 $0x380, v1;
	v2 =	vadd.s32 v2, v3  }
0x4f: {  	v1 =	vor.u32 v1, v2  }
0x50: {  	v1 =	vshrl.u32 v1, $0x3;
	_ =	sdelay $0x3  }
0x51: {  	s16 =	sadd.s32 $0x800, s17  }
0x52: {  	[tilespmem:s16], [sflag:$0x1] =	stream.indirect_vreg.gather [hbm:s5], $0x80, v1, vm0, $0x38;
	[tilespmem:$0x50A0] =	vst v63  }
0x53: {  	s16 =	sadd.s32 $0x400, s16  }
0x54: {  	[tilespmem:s16], [sflag:$0x1] =	stream.indirect_vreg.gather [hbm:s5], $0x80, v1, vm1, $0x38;
	[tilespmem:$0x50A0] =	vst v63  }
0x55: {  	s13 =	sshll.u32 s13, $0x4;
	_ =	swait.ge [sflag:s6], $0x2800  }
0x56: {  	s13 =	sadd.s32 s13, s9;
	[sflag:s6] =	ssyncset.done $0x0  }
0x57: {  	s17 =	sadd.s32 $0x0, s13;
	s16 =	simm.s32 $0x80;
	[sflag:s6] =	ssyncadd.s32 $0xFFFFD800  }
.LBB2_5:
0x58: {  	[hbm:s17] =	stream.linear.scatter [tilespmem:s14], [sflag:$0x3], $0x400, $0x38;
	[tilespmem:$0x50A0] =	vst v63  }
0x59: {  	s17 =	smov.u32 s16;
	s14 =	smov.u32 s15;
	p1 =	sne.s32 s16, $0x480  }
.Ltmp4:
0x5a: {  	s16 =	sadd.s32 $0x80, s16;
	(pc) =	sbr.rel @p1 .LBB2_5-.Ltmp4, $2  }
0x5b: {  	_ =	sdelay $0x2  }
0x5c: {  	s15 =	sadd.s32 $0x400, s15;
	s17 =	sadd.s32 s17, s13  }
.Ltmp5:
0x5d: {  	_ = 	snop;
	(pc) =	sbr.rel .LBB2_6-.Ltmp5, $1  }
0x5e: {  	_ =	sdelay $0x3  }
.LBB2_8:
0x5f: {  	_ =	sfence.sel $0x180000  }
0x60: {  	s2 =	simm.s32 $0x2;
	[bflag:$0x0] =	sbarrier.arrive $0xFFFF  }
0x61: {  	s30 =	simm.s32 $0x3;
	[sflag:s2] =	ssyncpa.u1 $0x1  }
0x62: {  	s31 =	simm.s32 $0x1;
	[sflag:s30] =	ssyncpa.u1 $0x1  }
0x63: {  	[sflag:s31] =	ssyncpa.u1 $0x1  }
0x64: {  	p0 =	sne.s32 s0, $0x0;
	_ =	strace $0x9000004A  }
0x65: {  	s0 =	sadd.s32 @!p0 $0x100000, s1;
	[bflag:$0x2] =	sbarrier.arrive $0xFFFF  }
0x66: {  	[sflag:s0] =	ssyncadd.tile.s32 @!p0 $0x1;
	_ =	shalt  }
.Lfunc_end2:
_tile_overlayer_lowered:
.L_overlay_start_2:
0x67: {  	(tag) =	ssettag $0x2  }
0x68: {  	s0 =	rddreg [dreg:$0x0];
	s2 =	stileid.u32  }
0x69: {  	s1 =	rddreg [dreg:$0x1];
	p0 =	sne.s32 s2, $0x0  }
0x6a: {  	s3 =	rddreg [dreg:$0x2];
	[bflag:$0x3] =	sbarrier.arrive $0xFFFF;
	s2 =	simm.s32 @!p0 $0x1C01  }
0x6b: {  	[timem:s3], [sflag:s2] =	dma.local @!p0 [hbm:s0], s1  }
0x6c: {  	s0 =	simm.s32 @!p0 $0x1  }
0x6d: {  	_ =	swait.ge @!p0 [sflag:s0], s1  }
0x6e: {  	s1 =	ssub.s32 @!p0 $0x0, s1;
	[sflag:s0] =	ssyncset.done @!p0 $0x0  }
0x6f: {  	[sflag:s0] =	ssyncadd.s32 @!p0 s1  }
0x70: {  	[bflag:$0x3] =	sbarrier.arrive $0xFFFF  }
0x71: {  	_ =	shalt  }

// kernel: sparse-core-data-format-call.cloned.1.call-start
scs
called_computation_lowered:
.L_overlay_start_0:
0x0: {  	s1 =	sld [smem:$0x3FD9]  }
0x1: {  	s2 =	sld [smem:$0x3FFE];
	_ =	sdelay $0x1  }
0x2: {  	s3 =	srdreg.scid  }
0x3: {  	s0 =	sand.u32 $0x1, s3  }
0x4: {  	s17 =	sshll.u32 s0, $0xA;
	s1 =	sadd.s32 s2, s1  }
0x5: {  	s1 =	sadd.s32 s1, s17  }
0x6: {  	[smem:$0x3FC6] =	sst s1  }
0x7: {  	_ = 	snop  }
0x8: {  	(tm) =	ssettm $0x1  }
0x9: {  	s18 =	sld [smem:$0x3FFB];
	_ =	sdelay $0x3  }
0xa: {  	_ =	strace s18  }
0xb: {  	s1 =	sld [smem:$0x3FFC];
	_ =	sdelay $0x3  }
0xc: {  	_ =	strace s1  }
0xd: {  	s1 =	sld [smem:$0x3FFD];
	_ =	sdelay $0x3  }
0xe: {  	_ =	strace s1  }
0xf: {  	_ =	strace $0x8FFFFFFF  }
0x10: {  	s19 =	sld [smem:$0x3FDB];
	_ =	sdelay $0x1  }
0x11: {  	s20 =	simm.s32 $_scs_section_size  }
0x12: {  	s4 =	simm.s32 $_size__tile_overlayer_lowered;
	s5 =	simm.s32 $_tile_overlayer_lowered  }
0x13: {  	s23 =	simm.s32 $0x1BFF;
	s22 =	sshll.u32 s5, $0x1;
	s1 =	sadd.s32 s20, s19  }
0x14: {  	s6 =	simm.s32 $0x0;
	s21 =	sshll.u32 s4, $0x1;
	s4 =	sadd.s32 s22, s1  }
0x15: {  	[timem:s6], [sflag:s23] =	dma.local [hbm:s4], s21  }
0x16: {  	_ =	swait.ge [sflag:s23], s21  }
0x17: {  	s2 =	ssub.s32 $0x0, s21;
	[sflag:s23] =	ssyncset.done $0x0  }
0x18: {  	[sflag:s23] =	ssyncadd.s32 s2;
	_ =	sdelay $0x1  }
0x19: {  	s24 =	simm.s32 $0x1B8B  }
0x1a: {  	_ =	swait.ge [sflag:s24], $0x1  }
0x1b: {  	[sflag:s24] =	ssyncset.done $0x0  }
0x1c: {  	s26 =	simm.s32 $0x1B8E;
	s25 =	sld [smem:$0x3FFE];
	[sflag:s24] =	ssyncadd.s32 $0xFFFFFFFF  }
0x1d: {  	s27 =	simm.s32 $execute0_lowered;
	[smem:$0x3FD2] =	sst s26  }
0x1e: {  	s4 =	sshll.u32 s27, $0x1;
	_ =	strace $0x80000046;
	[dreg:$0x1] =	wrdreg $0xFFFFFFFF  }
0x1f: {  	s28 =	simm.s32 $_size_execute0_lowered;
	s1 =	sadd.s32 s1, s4;
	[dreg:$0x0] =	wrdreg $0x0  }
0x20: {  	s4 =	sshll.u32 s28, $0x1;
	[dreg:$0x2] =	wrdreg s1  }
0x21: {  	[dreg:$0x3] =	wrdreg s4  }
0x22: {  	[dreg:$0x4] =	wrdreg $0xC0  }
0x23: {  	_ =	task [dreg:s6], $0x5FFFF  }
0x24: {  	[dreg:$0x1] =	wrdreg $0xFFFFFFFF  }
0x25: {  	[dreg:$0x0] =	wrdreg $0x60  }
0x26: {  	[dreg:$0x2] =	wrdreg s25  }
0x27: {  	[dreg:$0x3] =	wrdreg $0x9  }
0x28: {  	_ =	task.clear_ibuf [dreg:s6], $0x4FFFF;
	_ =	strace $0x90000046  }
0x29: {  	s29 =	simm.s32 $0x9;
	_ =	strace $0x80000048  }
0x2a: {  	_ =	swait.ge [sflag:s29], $0x1  }
0x2b: {  	[sflag:s29] =	ssyncadd.s32 $0xFFFFFFFF  }
0x2c: {  	_ =	strace $0x90000048  }
0x2d: {  	_ =	sfence  }
0x2e: {  	s30 =	sld [smem:$0x0];
	_ =	sdelay $0x2  }
0x2f: {  	s31 =	sshll.u32 s3, $0xD;
	s3 =	sshrl.u32 s3, $0x2  }
0x30: {  	s2 =	sand.u32 $0x4000, s31;
	s1 =	sadd.s32 s3, s30  }
0x31: {  	s0 =	sor.u32 s2, s0;
	s1 =	sshll.u32 s1, $0x11  }
0x32: {  	s0 =	sor.u32 s1, s0  }
0x33: {  	s0 =	sadd.s32 $0x8F2B, s0  }
0x34: {  	[sflag:s0] =	ssyncadd.remote.s32 $0x1  }
0x35: {  	_ =	sfence.sel $0xFFFF  }
0x36: {  	[dreg:$0x0] =	wrdreg $0xFFFFFFFF;
	(pc) =	sbr.abs _section_cstart, $3  }
0x37: {  	[dreg:$0x1] =	wrdreg $0xFFFFFFFF  }
0x38: {  	_ =	task.clear_ibuf [dreg:s6], $0x2FFFF;
	_ =	strace $0x9FFFFFFF  }
0x39: {  	(tm) =	ssettm $0x7FFFFFFF  }
tec
execute0_lowered:
.L_overlay_start_1:
0x0: {  	(tag) =	ssettag $0x1  }
0x1: {  	s0 =	srdreg.scid  }
0x2: {  	s7 =	stileid.u32;
	s3 =	rddreg [dreg:$0x0]  }
0x3: {  	_ =	strace $0x80000047;
	s29 =	simm.s32 $0x1;
	s30 =	simm.s32 $0x2  }
0x4: {  	s20 =	simm.s32 $0x0;
	s21 =	simm.s32 $0x0;
	s8 =	sand.u32 $0x1, s0  }
0x5: {  	s23 =	simm.s32 $0x0;
	s22 =	simm.s32 $0x0;
	s0 =	ssub.s32 $0x2, s8  }
0x6: {  	s11 =	simm.s32 $0x0;
	s1 =	ssub.s32 $0x73, s7;
	s2 =	sshrl.u32 s0, $0x1  }
0x7: {  	s14 =	simm.s32 $0x0;
	s1 =	sshrl.u32 s1, $0x4;
	s0 =	ssub.s32 s0, s2  }
0x8: {  	s12 =	simm.s32 $0x0;
	s19 =	simm.s32 $0x0;
	s0 =	smul.u32 s0, s1  }
.Ltmp0:
0x9: {  	s13 =	simm.s32 $0x0;
	s31 =	sadd.s32 $0x1D4C00, s3;
	(pc) =	sbr.rel .LBB1_1-.Ltmp0, $4  }
0xa: {  	s16 =	simm.s32 $0x0;
	[dreg:$0x4] =	wrdreg s31;
	s9 =	smul.u32 $0x6, s0  }
0xb: {  	s17 =	stileid.u32;
	s18 =	simm.s32 $0x0;
	[dreg:$0x2] =	wrdreg s8  }
0xc: {  	[sflag:s29] =	ssyncpa.u1 $0x0;
	s10 =	sor.u32 $0x1, s9;
	[dreg:$0x3] =	wrdreg s9  }
0xd: {  	[sflag:s30] =	ssyncpa.u1 $0x0;
	s15 =	smov.u32 s8;
	[dreg:$0x5] =	wrdreg s10  }
.LBB1_18:
0xe: {  	s0 =	sshrl.u32 s12, $0x3  }
0xf: {  	s11 =	rddreg [dreg:$0x6];
	s2 =	sshll.u32 s12, $0x7;
	p0 =	sgt.s32 s12, $0xFFFFFFE8  }
0x10: {  	s3 =	smov.u32 s12;
	s14 =	rddreg [dreg:$0xb];
	s0 =	smul.u32 $0x1800, s0  }
0x11: {  	s1 =	sshll.u32 s11, $0x3;
	s9 =	sand.u32 $0x380, s2;
	s3 =	simm.s32 @!p0 $0xFFFFFFE8  }
0x12: {  	s10 =	sand.u32 $0x7F, s11;
	s1 =	sand.u32 $0xFFFFFC00, s1;
	s2 =	sadd.s32 s14, s3  }
0x13: {  	s14 =	rddreg [dreg:$0x7];
	s0 =	sadd.s32 s0, s1;
	s3 =	sadd.s32 $0x18, s2  }
0x14: {  	s2 =	ssub.s32 $0x68, s2;
	s24 =	smul.u32 $0xF3C00, s14;
	s0 =	sor.u32 s9, s0  }
0x15: {  	p0 =	sgt.s32 s3, $0x7F;
	s1 =	sor.u32 s10, s0;
	s0 =	smulhi.u32 $0xAAAAAAAB, s0  }
0x16: {  	s4 =	rddreg [dreg:$0xd];
	s2 =	simm.s32 @p0 $0x0;
	s19 =	smulhi.u32 $0xAAAAAAAB, s1  }
0x17: {  	s5 =	rddreg [dreg:$0xc];
	s2 =	smul.u32 s2, s4;
	s0 =	sshrl.u32 s0, $0x9  }
0x18: {  	s25 =	rddreg [dreg:$0x4];
	s20 =	smulhi.u32 $0x2762763, s0  }
0x19: {  	s7 =	stileid.u32;
	s3 =	sshrl.u32 s19, $0x9;
	s2 =	smul.u32 s5, s2  }
0x1a: {  	s8 =	rddreg [dreg:$0x2];
	s3 =	smul.u32 $0x300, s3  }
0x1b: {  	s29 =	sor.u32 $0x8000, s26;
	s19 =	rddreg [dreg:$0x8];
	s4 =	smul.u32 $0x68, s20  }
0x1c: {  	s31 =	simm.s32 $0x1800;
	s9 =	rddreg [dreg:$0x3];
	s23 =	smul.u32 $0x2700, s19  }
0x1d: {  	s10 =	rddreg [dreg:$0x5];
	s2 =	sand.u32 $0x3FFFFFFF, s2;
	s0 =	ssub.s32 s0, s4  }
0x1e: {  	s1 =	ssub.s32 s1, s3;
	s3 =	sadd.s32 s25, s23;
	s0 =	smul.u32 $0x60, s0  }
0x1f: {  	s20 =	rddreg [dreg:$0x9];
	s3 =	sadd.s32 s24, s3;
	s27 =	sand.u32 $0x7, s1  }
0x20: {  	s1 =	sshrl.u32 s1, $0x3;
	s28 =	sshll.u32 s27, $0x12;
	s0 =	sadd.s32 s0, s3  }
0x21: {  	s23 =	rddreg [dreg:$0xa];
	s30 =	sor.u32 $0x400, s28;
	s0 =	sadd.s32 s1, s0  }
0x22: {  	[hbm4b:s0+s30] =	stream.strided.scatter [tilespmem:s29], [sflag:$0x2], s2, s31, s30, $0x38;
	[tilespmem:$0x10000] =	vst v63  }
.LBB1_19:
0x23: {  	p0 =	slt.u32 s18, $0x2;
	s3 =	smov.u32 s23  }
0x24: {  	s4 =	smov.u32 s15;
	s5 =	smov.u32 s16;
	p1 =	sgt.s32 @!p0 s21, $0x1  }
0x25: {  	s0 =	sshra.s32 @!p0 s21, $0x1F;
	p2 =	sgt.s32 @!p0 s22, $0x63;
	s1 =	sshra.s32 @!p0 s22, $0x1F  }
0x26: {  	p1 =	por !p1, p0;
	s0 =	sand.u32 @!p0 s0, s21;
	p2 =	por !p2, p0  }
0x27: {  	s1 =	sand.u32 @!p0 s1, s22;
	s21 =	simm.s32 @p1 $0x1;
	s0 =	sxor.u32 @!p0 $0xFFFFFFFF, s0  }
0x28: {  	s22 =	simm.s32 @p2 $0x63;
	p1 =	sgt.s32 @!p0 s23, $0xFFFFFFE8;
	s0 =	sadd.s32 @!p0 s0, s21  }
0x29: {  	s1 =	ssub.s32 @!p0 s22, s1;
	p1 =	por !p1, p0;
	s21 =	smov.u32 s14  }
0x2a: {  	p2 =	sgt.s32 @!p0 s0, $0x0;
	s2 =	sadd.s32 @!p0 $0xFFFFFF9D, s1;
	s3 =	simm.s32 @p1 $0xFFFFFFE8  }
0x2b: {  	s0 =	ssub.s32 @!p0 $0x1, s0;
	p1 =	sgt.s32 @!p0 s2, $0x0;
	s2 =	sshra.s32 @!p0 s23, $0x1F  }
0x2c: {  	s1 =	ssub.s32 @!p0 $0x64, s1;
	p2 =	por !p2, p0;
	s2 =	sand.u32 @!p0 s2, s23  }
0x2d: {  	p1 =	por !p1, p0;
	s0 =	simm.s32 @!p2 $0x0;
	p2 =	sgt.s32 @!p0 s20, $0x280  }
0x2e: {  	s2 =	ssub.s32 @!p0 s3, s2;
	s1 =	simm.s32 @!p1 $0x0;
	p2 =	por !p2, p0  }
0x2f: {  	s3 =	sadd.s32 @!p0 $0x18, s2;
	s0 =	smul.u32 @!p0 s1, s0;
	s1 =	ssub.s32 @!p0 $0x68, s2  }
0x30: {  	s2 =	smov.u32 s20;
	p1 =	sgt.s32 @!p0 s3, $0x7F;
	s3 =	sshra.s32 @!p0 s20, $0x1F  }
0x31: {  	s2 =	simm.s32 @p2 $0x280;
	p1 =	por !p1, p0;
	s3 =	sand.u32 @!p0 s3, s20  }
0x32: {  	s22 =	smov.u32 s19;
	s1 =	simm.s32 @!p1 $0x0;
	s2 =	ssub.s32 @!p0 s2, s3  }
0x33: {  	s3 =	sadd.s32 $0x80, s13;
	s0 =	smul.u32 @!p0 s1, s0;
	s1 =	sadd.s32 @!p0 $0xFFFFFD80, s2  }
0x34: {  	p2 =	sgt.s32 s3, $0x2CF;
	p1 =	sgt.s32 @!p0 s1, $0x7F;
	s1 =	sadd.s32 $0x2, s15  }
0x35: {  	s2 =	ssub.s32 @!p0 $0x300, s2;
	p1 =	por !p1, p0;
	s4 =	smov.u32 @p2 s1  }
0x36: {  	s1 =	sadd.s32 $0x80, s16;
	s2 =	simm.s32 @!p1 $0x0;
	p1 =	sgt.s32 s4, $0x1  }
0x37: {  	s3 =	simm.s32 @p2 $0x0;
	s0 =	smul.u32 @!p0 s2, s0;
	s5 =	smov.u32 @p1 s1  }
0x38: {  	s1 =	sadd.s32 $0x10, s17;
	s2 =	smov.u32 s17;
	p2 =	sgt.s32 s5, $0x63  }
0x39: {  	s14 =	smov.u32 s15;
	s19 =	smov.u32 s17;
	s2 =	smov.u32 @p2 s1  }
0x3a: {  	s23 =	smov.u32 s12;
	s4 =	smov.u32 @p1 s8;
	p1 =	sgt.s32 s2, $0x63  }
0x3b: {  	s12 =	smov.u32 s16;
	s2 =	smov.u32 @p1 s7;
	p1 =	sne.s32 s18, s10  }
.Ltmp1:
0x3c: {  	s20 =	smov.u32 s11;
	s11 =	smov.u32 s13;
	(pc) =	sbr.rel @!p1 .LBB1_20-.Ltmp1, $4  }
0x3d: {  	s13 =	smov.u32 s3;
	s0 =	sand.u32 @!p0 $0x3FFFFFFF, s0;
	s1 =	simm.s32 @!p0 $0x2  }
0x3e: {  	s15 =	smov.u32 s4;
	s5 =	simm.s32 @p2 $0x0;
	_ =	swait.ge @!p0 [sflag:s1], s0  }
0x3f: {  	s0 =	ssub.s32 @!p0 $0x0, s0;
	s16 =	smov.u32 s5;
	[sflag:s1] =	ssyncset.done @!p0 $0x0  }
0x40: {  	s18 =	sadd.s32 $0x1, s18;
	[sflag:s1] =	ssyncadd.s32 @!p0 s0;
	s17 =	smov.u32 s2  }
.LBB1_1:
0x41: {  	p0 =	sge.u32 s18, s9  }
.Ltmp2:
0x42: {  	_ = 	snop;
	(pc) =	sbr.rel @p0 .LBB1_3-.Ltmp2, $1  }
0x43: {  	_ =	sdelay $0x3  }
0x44: {  	s0 =	sshrl.u32 s15, $0x1  }
0x45: {  	s1 =	sshll.u32 s13, $0x1;
	s2 =	sshll.u32 s15, $0x7;
	s3 =	sand.u32 $0x7F, s13  }
0x46: {  	p0 =	sgt.s32 s17, $0x63;
	s26 =	sshra.s32 s17, $0x1F;
	s4 =	sshra.s32 s16, $0x1F  }
0x47: {  	s29 =	sshra.s32 s15, $0x1F;
	s6 =	smov.u32 s15;
	s31 =	sshra.s32 s13, $0x1F  }
0x48: {  	s0 =	smul.u32 $0x600, s0;
	s25 =	sand.u32 $0x80, s2;
	s2 =	smov.u32 s17  }
0x49: {  	s1 =	sand.u32 $0xFFFFFF00, s1;
	s4 =	sand.u32 s4, s16;
	s2 =	simm.s32 @!p0 $0x63  }
0x4a: {  	s0 =	sadd.s32 s0, s1;
	s1 =	sor.u32 s3, s25;
	s25 =	smul.u32 $0x4B00, s17  }
0x4b: {  	p0 =	sgt.s32 s16, $0xFFFFFFE4;
	s3 =	sand.u32 s26, s17;
	s26 =	smul.u32 $0xC0, s16  }
0x4c: {  	s1 =	sor.u32 s0, s1;
	s2 =	ssub.s32 s2, s3;
	s3 =	smov.u32 s16  }
0x4d: {  	s0 =	smulhi.u32 $0xAAAAAAAB, s0;
	s5 =	sadd.s32 $0xFFFFFF9D, s2;
	s3 =	simm.s32 @!p0 $0xFFFFFFE4  }
0x4e: {  	s2 =	ssub.s32 $0x64, s2;
	s27 =	smulhi.u32 $0xAAAAAAAB, s1;
	p0 =	sgt.s32 s5, $0x0  }
0x4f: {  	s3 =	ssub.s32 s3, s4;
	s5 =	sand.u32 s29, s15;
	s0 =	sshrl.u32 s0, $0x9  }
0x50: {  	s2 =	simm.s32 @p0 $0x0;
	s28 =	sadd.s32 $0x1C, s3;
	s3 =	ssub.s32 $0x64, s3  }
0x51: {  	s30 =	sxor.u32 $0xFFFFFFFF, s5;
	s5 =	smov.u32 s13;
	s4 =	sshrl.u32 s27, $0x9  }
0x52: {  	s0 =	sand.u32 $0x1, s0;
	s27 =	rddreg [dreg:$0x0];
	p0 =	sgt.s32 s28, $0x7F  }
0x53: {  	s4 =	smul.u32 $0x300, s4;
	s3 =	simm.s32 @p0 $0x0;
	p0 =	sgt.s32 s15, $0x1  }
0x54: {  	s2 =	smul.u32 s2, s3;
	s6 =	simm.s32 @!p0 $0x1;
	p0 =	sgt.s32 s13, $0x280  }
0x55: {  	s1 =	ssub.s32 s1, s4;
	s3 =	sadd.s32 s30, s6;
	s5 =	simm.s32 @!p0 $0x280  }
0x56: {  	s6 =	sand.u32 s31, s13;
	p0 =	sgt.s32 s3, $0x0;
	s3 =	ssub.s32 $0x1, s3  }
0x57: {  	s28 =	sand.u32 $0x7, s1;
	s5 =	ssub.s32 s5, s6;
	s3 =	simm.s32 @p0 $0x0  }
0x58: {  	s1 =	sshrl.u32 s1, $0x3;
	s6 =	sadd.s32 $0xFFFFFD80, s5;
	s2 =	smul.u32 s3, s2  }
0x59: {  	p0 =	sgt.s32 s6, $0x7F;
	s3 =	ssub.s32 $0x300, s5;
	s6 =	sxor.u32 $0xFFFFFFFF, s18  }
0x5a: {  	s3 =	simm.s32 @p0 $0x0;
	s5 =	sshll.u32 s6, $0xE;
	p0 =	seq.s32 s0, $0x1  }
0x5b: {  	s0 =	simm.s32 $0x60;
	s24 =	sand.u32 $0x4000, s5;
	s5 =	sadd.s32 s27, s25  }
0x5c: {  	s2 =	smul.u32 s3, s2;
	s0 =	simm.s32 @!p0 $0x0;
	s4 =	sadd.s32 s26, s5  }
0x5d: {  	s31 =	simm.s32 $0x600;
	s29 =	sshll.u32 s28, $0x12;
	s0 =	sadd.s32 s0, s4  }
0x5e: {  	s30 =	sor.u32 $0x80, s29;
	s2 =	sand.u32 $0x3FFFFFFF, s2;
	s0 =	sadd.s32 s1, s0  }
0x5f: {  	[tilespmem:s24], [sflag:$0x1] =	stream.strided.gather [hbm4b:s0+s30], s2, s31, s30, $0x38;
	[tilespmem:$0x10000] =	vst v63  }
.LBB1_3:
0x60: {  	s0 =	sadd.s32 $0xFFFFFFFF, s18  }
0x61: {  	p0 =	sge.u32 s0, s9  }
.Ltmp3:
0x62: {  	_ = 	snop;
	(pc) =	sbr.rel @p0 .LBB1_19-.Ltmp3, $1  }
0x63: {  	_ =	sdelay $0x3  }
0x64: {  	[dreg:$0xa] =	wrdreg s23  }
0x65: {  	p0 =	sgt.s32 s19, $0x63;
	s0 =	smov.u32 s19;
	s1 =	sshra.s32 s19, $0x1F  }
0x66: {  	s23 =	ssub.s32 $0x0, s12;
	s2 =	sshra.s32 s12, $0x1F;
	p1 =	sgt.s32 s12, $0xFFFFFFE4  }
0x67: {  	s24 =	sshra.s32 s14, $0x1F;
	s3 =	smov.u32 s14;
	s5 =	sshra.s32 s11, $0x1F  }
0x68: {  	s0 =	simm.s32 @!p0 $0x63;
	s1 =	sand.u32 s1, s19;
	s4 =	sand.u32 s23, s2  }
0x69: {  	s2 =	sand.u32 s24, s14;
	s5 =	sand.u32 s5, s11;
	s0 =	ssub.s32 s0, s1  }
0x6a: {  	[dreg:$0xb] =	wrdreg s4;
	s2 =	sxor.u32 $0xFFFFFFFF, s2;
	s1 =	sadd.s32 $0xFFFFFF9D, s0  }
0x6b: {  	s0 =	ssub.s32 $0x64, s0;
	p0 =	sgt.s32 s1, $0x0;
	s1 =	smov.u32 s12  }
0x6c: {  	s1 =	simm.s32 @!p1 $0xFFFFFFE4;
	p1 =	sgt.s32 s14, $0x1;
	s0 =	simm.s32 @p0 $0x0  }
0x6d: {  	s1 =	sadd.s32 s4, s1;
	s3 =	simm.s32 @!p1 $0x1;
	p1 =	sgt.s32 s11, $0x280  }
0x6e: {  	s4 =	sadd.s32 $0x1C, s1;
	s2 =	sadd.s32 s2, s3;
	s3 =	smov.u32 s11  }
0x6f: {  	p0 =	sgt.s32 s2, $0x0;
	s2 =	ssub.s32 $0x1, s2;
	s3 =	simm.s32 @!p1 $0x280  }
0x70: {  	s1 =	ssub.s32 $0x64, s1;
	s2 =	simm.s32 @p0 $0x0;
	s3 =	ssub.s32 s3, s5  }
0x71: {  	p1 =	sgt.s32 s4, $0x7F;
	s25 =	sadd.s32 $0xFFFFFD80, s3;
	s0 =	smul.u32 s0, s2  }
0x72: {  	s1 =	simm.s32 @p1 $0x0;
	s3 =	ssub.s32 $0x300, s3;
	p0 =	sgt.s32 s25, $0x7F  }
0x73: {  	[dreg:$0xd] =	wrdreg s0;
	s0 =	smul.u32 s1, s0;
	s1 =	sadd.s32 $0x1, s19  }
0x74: {  	s2 =	sadd.s32 $0x80, s12;
	s3 =	simm.s32 @p0 $0x0;
	p0 =	slt.s32 s1, $0x64  }
0x75: {  	s1 =	simm.s32 @!p0 $0x64;
	p0 =	slt.s32 s2, $0x64  }
0x76: {  	s27 =	ssub.s32 s1, s19;
	s2 =	simm.s32 @!p0 $0x64;
	s1 =	sadd.s32 $0x1, s14  }
0x77: {  	s28 =	ssub.s32 s2, s12;
	p1 =	slt.s32 s1, $0x2;
	p0 =	slt.s32 s27, $0x1  }
0x78: {  	s1 =	simm.s32 @!p1 $0x2;
	p1 =	slt.s32 @!p0 s28, $0x1  }
0x79: {  	[dreg:$0x9] =	wrdreg s20;
	s29 =	ssub.s32 s1, s14;
	p1 =	por p0, p1  }
0x7a: {  	[dreg:$0x6] =	wrdreg s11;
	p2 =	slt.s32 @!p1 s29, $0x1  }
0x7b: {  	[dreg:$0x8] =	wrdreg s19;
	s0 =	smul.u32 s3, s0;
	p1 =	por p1, p2  }
.Ltmp4:
0x7c: {  	[dreg:$0x7] =	wrdreg s14;
	(pc) =	sbr.rel @p1 .LBB1_18-.Ltmp4, $4  }
0x7d: {  	s30 =	simm.s32 $0x1;
	[dreg:$0xc] =	wrdreg s3;
	s0 =	sand.u32 $0x3FFFFFFF, s0  }
0x7e: {  	_ =	swait.ge [sflag:s30], s0  }
0x7f: {  	s31 =	sshll.u32 s18, $0xE;
	s26 =	ssub.s32 $0x0, s0;
	[sflag:s30] =	ssyncset.done $0x0  }
0x80: {  	[sflag:s30] =	ssyncadd.s32 s26;
	s26 =	sand.u32 $0x4000, s31  }
0x81: {  	s1 =	rddreg [dreg:$0x6]  }
0x82: {  	s0 =	sadd.s32 $0x80, s1  }
0x83: {  	p1 =	slt.s32 s0, $0x2D0  }
.Ltmp5:
0x84: {  	s0 =	simm.s32 @!p1 $0x2D0;
	(pc) =	sbr.rel .LBB1_6-.Ltmp5, $4  }
0x85: {  	s0 =	ssub.s32 s0, s1  }
0x86: {  	s9 =	simm.s32 $0x0;
	s1 =	sor.u32 @!p0 $0x8000, s26;
	s0 =	sadd.s32 $0xF, s0  }
0x87: {  	s30 =	sand.u32 $0xFFFFFFF0, s0;
	s2 =	sshll.u32 s0, $0x3;
	s31 =	sand.u32 @!p0 $0xFFFFFF00, s0  }
0x88: {  	p0 =	slt.s32 s0, $0x100;
	s8 =	sand.u32 $0xFFFFF800, s2;
	p1 =	sge.s32 s31, s30  }
.LBB1_17:
0x89: {  	s9 =	sadd.s32 $0x1, s9  }
0x8a: {  	p2 =	sne.s32 s9, s27  }
.Ltmp6:
0x8b: {  	_ = 	snop;
	(pc) =	sbr.rel @!p2 .LBB1_18-.Ltmp6, $1  }
0x8c: {  	_ =	sdelay $0x3  }
.LBB1_6:
.Ltmp7:
0x8d: {  	(pc) =	sbr.rel .LBB1_7-.Ltmp7, $4  }
0x8e: {  	_ = 	snop  }
0x8f: {  	s0 =	sshll.u32 s9, $0x10  }
0x90: {  	s0 =	sshra.s32 s0, $0x2  }
0x91: {  	s20 =	simm.s32 $0x400;
	s6 =	simm.s32 $0x0;
	s3 =	sadd.s32 s0, s26  }
.LBB1_16:
0x92: {  	s6 =	sadd.s32 $0x1, s6  }
0x93: {  	p2 =	sne.s32 s6, s28  }
.Ltmp8:
0x94: {  	_ = 	snop;
	(pc) =	sbr.rel @!p2 .LBB1_17-.Ltmp8, $2  }
0x95: {  	_ =	sdelay $0x2  }
0x96: {  	s20 =	sadd.s32 $0x80, s20  }
.LBB1_7:
.Ltmp9:
0x97: {  	(pc) =	sbr.rel .LBB1_8-.Ltmp9, $4  }
0x98: {  	_ = 	snop  }
0x99: {  	s4 =	sshll.u32 s6, $0x7;
	s0 =	sshll.u32 s6, $0x9  }
0x9a: {  	s23 =	simm.s32 $0x0;
	s5 =	sand.u32 $0x380, s4;
	s0 =	sshra.s32 s0, $0x2  }
0x9b: {  	s7 =	sadd.s32 s4, s3;
	s2 =	sadd.s32 s0, s3;
	s5 =	sadd.s32 s5, s1  }
.LBB1_15:
0x9c: {  	s23 =	sadd.s32 $0x1, s23  }
0x9d: {  	p2 =	sne.s32 s23, s29  }
.Ltmp10:
0x9e: {  	_ = 	snop;
	(pc) =	sbr.rel @!p2 .LBB1_16-.Ltmp10, $1  }
0x9f: {  	_ =	sdelay $0x3  }
.LBB1_8:
.Ltmp11:
0xa0: {  	(pc) =	sbr.rel @p0 .LBB1_12-.Ltmp11, $2  }
0xa1: {  	_ =	sdelay $0x2  }
0xa2: {  	s25 =	sshll.u32 s23, $0x7;
	s24 =	sadd.s32 s9, s23  }
0xa3: {  	s0 =	sshll.u32 s24, $0x10  }
0xa4: {  	s11 =	sand.u32 $0x80, s25;
	s0 =	sshra.s32 s0, $0x2  }
0xa5: {  	s19 =	sadd.s32 s11, s7;
	s0 =	sadd.s32 s0, s5  }
0xa6: {  	v6 =	vld [tilespmem:s19+$0x70];
	v0 =	vmov s0  }
0xa7: {  	v7 =	vld [tilespmem:s19+$0x0]  }
0xa8: {  	v8 =	vld [tilespmem:s19+$0x10]  }
0xa9: {  	v1 =	vld [tilespmem:s19+$0x20]  }
0xaa: {  	s14 =	sadd.s32 $0xFFFFFC00, s20;
	s11 =	sand.u32 $0x3C00, s20;
	v2 =	vld [tilespmem:s19+$0x30]  }
0xab: {  	v3 =	vld [tilespmem:s19+$0x40];
	s0 =	sand.u32 $0x3C00, s14;
	[tilespmem:v0+s11+$0x70 ss:$0x1] =	vst.idx.msk $0xffff, v6  }
0xac: {  	v5 =	vld [tilespmem:s19+$0x50];
	[tilespmem:v0+s0+$0x0 ss:$0x1] =	vst.idx.msk $0xffff, v7  }
0xad: {  	v4 =	vld [tilespmem:s19+$0x60];
	[tilespmem:v0+s0+$0x10 ss:$0x1] =	vst.idx.msk $0xffff, v8  }
0xae: {  	[tilespmem:v0+s0+$0x20 ss:$0x1] =	vst.idx.msk $0xffff, v1  }
0xaf: {  	[tilespmem:v0+s0+$0x30 ss:$0x1] =	vst.idx.msk $0xffff, v2  }
0xb0: {  	p2 =	sgt.s32 s31, $0x100;
	[tilespmem:v0+s0+$0x40 ss:$0x1] =	vst.idx.msk $0xffff, v3  }
.Ltmp12:
0xb1: {  	[tilespmem:v0+s0+$0x50 ss:$0x1] =	vst.idx.msk $0xffff, v5;
	(pc) =	sbr.rel @!p2 .LBB1_11-.Ltmp12, $4  }
0xb2: {  	[tilespmem:v0+s0+$0x60 ss:$0x1] =	vst.idx.msk $0xffff, v4  }
0xb3: {  	[tilespmem:v0+s0+$0x70 ss:$0x1] =	vst.idx.msk $0xffff, v6  }
0xb4: {  	[tilespmem:v0+s11+$0x0 ss:$0x1] =	vst.idx.msk $0xffff, v7  }
0xb5: {  	s14 =	simm.s32 $0x100;
	[tilespmem:v0+s11+$0x10 ss:$0x1] =	vst.idx.msk $0xffff, v8;
	s0 =	smov.u32 s20  }
.LBB1_10:
0xb6: {  	v6 =	vld [tilespmem:s19+$0x70];
	s14 =	sadd.s32 $0x100, s14;
	[tilespmem:v0+s11+$0x20 ss:$0x1] =	vst.idx.msk $0xffff, v1  }
0xb7: {  	v7 =	vld [tilespmem:s19+$0x0];
	p2 =	slt.s32 s14, s31;
	[tilespmem:v0+s11+$0x30 ss:$0x1] =	vst.idx.msk $0xffff, v2  }
0xb8: {  	v8 =	vld [tilespmem:s19+$0x10];
	[tilespmem:v0+s11+$0x40 ss:$0x1] =	vst.idx.msk $0xffff, v3  }
0xb9: {  	s0 =	sadd.s32 $0x800, s0;
	v1 =	vld [tilespmem:s19+$0x20];
	[tilespmem:v0+s11+$0x50 ss:$0x1] =	vst.idx.msk $0xffff, v5  }
0xba: {  	s10 =	sadd.s32 $0xFFFFFC00, s0;
	v2 =	vld [tilespmem:s19+$0x30];
	[tilespmem:v0+s11+$0x60 ss:$0x1] =	vst.idx.msk $0xffff, v4;
	s11 =	sand.u32 $0x3C00, s0  }
0xbb: {  	s10 =	sand.u32 $0x3C00, s10;
	v3 =	vld [tilespmem:s19+$0x40];
	[tilespmem:v0+s11+$0x70 ss:$0x1] =	vst.idx.msk $0xffff, v6  }
0xbc: {  	[tilespmem:v0+s10+$0x0 ss:$0x1] =	vst.idx.msk $0xffff, v7;
	v5 =	vld [tilespmem:s19+$0x50]  }
0xbd: {  	[tilespmem:v0+s10+$0x10 ss:$0x1] =	vst.idx.msk $0xffff, v8;
	v4 =	vld [tilespmem:s19+$0x60]  }
0xbe: {  	[tilespmem:v0+s10+$0x20 ss:$0x1] =	vst.idx.msk $0xffff, v1  }
0xbf: {  	[tilespmem:v0+s10+$0x30 ss:$0x1] =	vst.idx.msk $0xffff, v2  }
0xc0: {  	[tilespmem:v0+s10+$0x40 ss:$0x1] =	vst.idx.msk $0xffff, v3  }
.Ltmp13:
0xc1: {  	[tilespmem:v0+s10+$0x50 ss:$0x1] =	vst.idx.msk $0xffff, v5;
	(pc) =	sbr.rel @p2 .LBB1_10-.Ltmp13, $4  }
0xc2: {  	[tilespmem:v0+s10+$0x60 ss:$0x1] =	vst.idx.msk $0xffff, v4  }
0xc3: {  	[tilespmem:v0+s10+$0x70 ss:$0x1] =	vst.idx.msk $0xffff, v6  }
0xc4: {  	[tilespmem:v0+s11+$0x0 ss:$0x1] =	vst.idx.msk $0xffff, v7  }
0xc5: {  	[tilespmem:v0+s11+$0x10 ss:$0x1] =	vst.idx.msk $0xffff, v8  }
.LBB1_11:
0xc6: {  	_ =	sdelay $0x3  }
0xc7: {  	[tilespmem:v0+s11+$0x20 ss:$0x1] =	vst.idx.msk $0xffff, v1  }
0xc8: {  	[tilespmem:v0+s11+$0x30 ss:$0x1] =	vst.idx.msk $0xffff, v2  }
0xc9: {  	[tilespmem:v0+s11+$0x40 ss:$0x1] =	vst.idx.msk $0xffff, v3  }
0xca: {  	[tilespmem:v0+s11+$0x50 ss:$0x1] =	vst.idx.msk $0xffff, v5  }
0xcb: {  	[tilespmem:v0+s11+$0x60 ss:$0x1] =	vst.idx.msk $0xffff, v4  }
.LBB1_12:
.Ltmp14:
0xcc: {  	(pc) =	sbr.rel @p1 .LBB1_15-.Ltmp14, $1  }
0xcd: {  	_ =	sdelay $0x3  }
0xce: {  	s0 =	sand.u32 $0x80, s25  }
0xcf: {  	s14 =	sadd.s32 s0, s2  }
0xd0: {  	v0 =	vmov s14  }
0xd1: {  	s11 =	sshll.u32 s24, $0x10  }
0xd2: {  	s25 =	sshra.s32 s11, $0x2  }
0xd3: {  	s11 =	smov.u32 s8;
	s0 =	sadd.s32 s25, s5;
	s14 =	smov.u32 s31  }
.LBB1_14:
0xd4: {  	s10 =	sand.u32 $0x70, s14;
	s14 =	sadd.s32 $0x10, s14  }
0xd5: {  	s19 =	sand.u32 $0x3C00, s11;
	v1 =	vld.idx.msk [tilespmem:v0+s10+$0x0 ss:$0x1], $0xffff;
	p2 =	slt.s32 s14, s30  }
.Ltmp15:
0xd6: {  	s19 =	sadd.s32 s4, s19;
	(pc) =	sbr.rel @p2 .LBB1_14-.Ltmp15, $4  }
0xd7: {  	s19 =	sand.u32 $0x3C00, s19  }
0xd8: {  	s19 =	sadd.s32 s19, s0  }
0xd9: {  	s10 =	sadd.s32 s10, s19  }
0xda: {  	s11 =	sadd.s32 $0x80, s11;
	[tilespmem:s10+$0x0] =	vst v1  }
.Ltmp16:
0xdb: {  	_ = 	snop;
	(pc) =	sbr.rel .LBB1_15-.Ltmp16, $1  }
0xdc: {  	_ =	sdelay $0x3  }
.LBB1_20:
0xdd: {  	_ =	sfence.sel $0x180000  }
0xde: {  	s0 =	simm.s32 $0x1;
	[bflag:$0x0] =	sbarrier.arrive $0xFFFF  }
0xdf: {  	s31 =	simm.s32 $0x2;
	[sflag:s0] =	ssyncpa.u1 $0x1  }
0xe0: {  	[sflag:s31] =	ssyncpa.u1 $0x1  }
0xe1: {  	_ =	strace $0x90000047  }
0xe2: {  	[bflag:$0x2] =	sbarrier.arrive $0xFFFF  }
0xe3: {  	p0 =	sne.s32 s7, $0x0;
	s0 =	rddreg [dreg:$0x1]  }
0xe4: {  	s0 =	sadd.s32 @!p0 $0x100000, s0  }
0xe5: {  	[sflag:s0] =	ssyncadd.tile.s32 @!p0 $0x1;
	_ =	shalt  }
.Lfunc_end1:
_tile_overlayer_lowered:
.L_overlay_start_2:
0xe6: {  	(tag) =	ssettag $0x2  }
0xe7: {  	s0 =	rddreg [dreg:$0x0];
	s2 =	stileid.u32  }
0xe8: {  	s1 =	rddreg [dreg:$0x1];
	p0 =	sne.s32 s2, $0x0  }
0xe9: {  	s3 =	rddreg [dreg:$0x2];
	[bflag:$0x3] =	sbarrier.arrive $0xFFFF;
	s2 =	simm.s32 @!p0 $0x1C01  }
0xea: {  	[timem:s3], [sflag:s2] =	dma.local @!p0 [hbm:s0], s1  }
0xeb: {  	s0 =	simm.s32 @!p0 $0x1  }
0xec: {  	_ =	swait.ge @!p0 [sflag:s0], s1  }
0xed: {  	s1 =	ssub.s32 @!p0 $0x0, s1;
	[sflag:s0] =	ssyncset.done @!p0 $0x0  }
0xee: {  	[sflag:s0] =	ssyncadd.s32 @!p0 s1  }
0xef: {  	[bflag:$0x3] =	sbarrier.arrive $0xFFFF  }
0xf0: {  	_ =	shalt  }

</sc_bundles>
